<compile_context>
chip_gen: v7x
topology: tpu7x:2x2x1
jax: 0.10.2.dev20260603
libtpu: 0.0.44.dev20260713+nightly
codegen_flags: <defaults>
</compile_context>

<pallas_src>
import functools
import jax
import jax.numpy as jnp
from jax import lax
from jax.experimental import pallas as pl
from jax.experimental.pallas import tpu as pltpu, tpu_sc as plsc

_NQ = 8192
_NB = 4
_ND = 2 * _NB

_TQ = 64
_CK = 128
_NC = _NQ // _CK

_S_SC = 18
_NQ_SC = _S_SC * 128
_NQ_TC = _NQ - _NQ_SC
_NT = _NQ_TC // _TQ



def _tc_body(q_ref, k_ref, min_ref, idx_ref, sum_ref):
    t = pl.program_id(1)
    q = q_ref[0]
    qxb = jnp.broadcast_to(q[:, 0:1], (_TQ, _CK))
    qyb = jnp.broadcast_to(q[:, 1:2], (_TQ, _CK))
    qzb = jnp.broadcast_to(q[:, 2:3], (_TQ, _CK))

    def step(j, carry):
        mmin, tid = carry
        k = k_ref[0, :, pl.ds(j * _CK, _CK)]
        dx = qxb - jnp.broadcast_to(k[0:1, :], (_TQ, _CK))
        dy = qyb - jnp.broadcast_to(k[1:2, :], (_TQ, _CK))
        dz = qzb - jnp.broadcast_to(k[2:3, :], (_TQ, _CK))
        d = dx * dx + dy * dy + dz * dz
        upd = d < mmin
        mmin = jnp.minimum(mmin, d)
        tid = jnp.where(upd, j.astype(jnp.float32), tid)
        return mmin, tid

    mmin = jnp.full((_TQ, _CK), jnp.inf, jnp.float32)
    tid = jnp.zeros((_TQ, _CK), jnp.float32)
    mmin, tid = jax.lax.fori_loop(0, _NC, step, (mmin, tid), unroll=8)

    m = jnp.min(mmin, axis=1)
    lane = jax.lax.broadcasted_iota(jnp.int32, (_TQ, _CK), 1).astype(jnp.float32)
    cand = tid * jnp.float32(_CK) + lane
    idxf = jnp.min(jnp.where(mmin == m[:, None], cand, jnp.float32(2 * _NQ)),
                   axis=1)
    min_ref[0, 0, :] = m
    idx_ref[0, 0, :] = idxf.astype(jnp.int32)

    @pl.when(t == 0)
    def _():
        sum_ref[0, 0, :] = jnp.zeros((_TQ,), jnp.float32)

    sum_ref[0, 0, :] += m


def _tc_nn(qs, ks):
    nd = qs.shape[0]
    grid = (nd, _NT)
    mins, idxs, sums = pl.pallas_call(
        _tc_body,
        grid=grid,
        in_specs=[
            pl.BlockSpec((1, _TQ, 3), lambda b, t: (b, t, 0)),
            pl.BlockSpec((1, 3, _NQ), lambda b, t: (b, 0, 0)),
        ],
        out_specs=[
            pl.BlockSpec((1, 1, _TQ), lambda b, t: (b * _NT + t, 0, 0)),
            pl.BlockSpec((1, 1, _TQ), lambda b, t: (b * _NT + t, 0, 0)),
            pl.BlockSpec((1, 1, _TQ), lambda b, t: (b, 0, 0)),
        ],
        out_shape=[
            jax.ShapeDtypeStruct((nd * _NT, 1, _TQ), jnp.float32),
            jax.ShapeDtypeStruct((nd * _NT, 1, _TQ), jnp.int32),
            jax.ShapeDtypeStruct((nd, 1, _TQ), jnp.float32),
        ],
    )(qs, ks)
    return idxs.reshape(nd, _NQ_TC), jnp.sum(sums)


_NW = 32
_QW = (_ND * _NQ_SC) // _NW
_QG = 2
_NG = _QW // (16 * _QG)


def _sc_body(qx_h, qy_h, qz_h, kx_h, ky_h, kz_h,
             idx_h, min_h, sum_h,
             qx_v, qy_v, qz_v, kx_v, ky_v, kz_v, min_v, idx_v, sum_v):
    wid = lax.axis_index("s") * 2 + lax.axis_index("c")
    qbase = wid * _QW
    kbase = (wid // 4) * _NQ

    pltpu.sync_copy(qx_h.at[pl.ds(qbase, _QW)], qx_v)
    pltpu.sync_copy(qy_h.at[pl.ds(qbase, _QW)], qy_v)
    pltpu.sync_copy(qz_h.at[pl.ds(qbase, _QW)], qz_v)
    pltpu.sync_copy(kx_h.at[pl.ds(kbase, _NQ)], kx_v)
    pltpu.sync_copy(ky_h.at[pl.ds(kbase, _NQ)], ky_v)
    pltpu.sync_copy(kz_h.at[pl.ds(kbase, _NQ)], kz_v)

    def group(g, ssum):
        qxs = [qx_v[pl.ds(g * 16 * _QG + 16 * r, 16)] for r in range(_QG)]
        qys = [qy_v[pl.ds(g * 16 * _QG + 16 * r, 16)] for r in range(_QG)]
        qzs = [qz_v[pl.ds(g * 16 * _QG + 16 * r, 16)] for r in range(_QG)]

        def step(kg, carry):
            ms = list(carry[:_QG])
            ts = list(carry[_QG:])
            kxg = kx_v[pl.ds(kg * 16, 16)]
            kyg = ky_v[pl.ds(kg * 16, 16)]
            kzg = kz_v[pl.ds(kg * 16, 16)]
            jbase = (kg * 16).astype(jnp.float32)
            for i in range(16):
                kxb = jnp.broadcast_to(kxg[i:i + 1], (16,))
                kyb = jnp.broadcast_to(kyg[i:i + 1], (16,))
                kzb = jnp.broadcast_to(kzg[i:i + 1], (16,))
                jf = jbase + jnp.float32(i)
                for r in range(_QG):
                    dx = qxs[r] - kxb
                    dy = qys[r] - kyb
                    dz = qzs[r] - kzb
                    d = dx * dx + dy * dy + dz * dz
                    u = d < ms[r]
                    ms[r] = jnp.minimum(ms[r], d)
                    ts[r] = jnp.where(u, jf, ts[r])
            return tuple(ms) + tuple(ts)

        inf = jnp.full((16,), jnp.inf, jnp.float32)
        zero = jnp.zeros((16,), jnp.float32)
        out = lax.fori_loop(0, _NQ // 16, step,
                            (inf,) * _QG + (zero,) * _QG)
        for r in range(_QG):
            min_v[pl.ds(g * 16 * _QG + 16 * r, 16)] = out[r]
            idx_v[pl.ds(g * 16 * _QG + 16 * r, 16)] = out[_QG + r].astype(jnp.int32)
            ssum = ssum + out[r]
        return ssum

    ssum = lax.fori_loop(0, _NG, group, jnp.zeros((16,), jnp.float32))
    sum_v[...] = ssum
    pltpu.sync_copy(min_v, min_h.at[pl.ds(qbase, _QW)])
    pltpu.sync_copy(idx_v, idx_h.at[pl.ds(qbase, _QW)])
    pltpu.sync_copy(sum_v, sum_h.at[pl.ds(wid * 16, 16)])


def _sc_nn(qx, qy, qz, kx, ky, kz):
    n = qx.shape[0]
    mesh = plsc.VectorSubcoreMesh(core_axis_name="c", subcore_axis_name="s")
    f = functools.partial(
        pl.kernel, mesh=mesh,
        out_type=[
            jax.ShapeDtypeStruct((n,), jnp.int32),
            jax.ShapeDtypeStruct((n,), jnp.float32),
            jax.ShapeDtypeStruct((_NW * 16,), jnp.float32),
        ],
        scratch_types=[
            pltpu.VMEM((_QW,), jnp.float32),
            pltpu.VMEM((_QW,), jnp.float32),
            pltpu.VMEM((_QW,), jnp.float32),
            pltpu.VMEM((_NQ,), jnp.float32),
            pltpu.VMEM((_NQ,), jnp.float32),
            pltpu.VMEM((_NQ,), jnp.float32),
            pltpu.VMEM((_QW,), jnp.float32),
            pltpu.VMEM((_QW,), jnp.int32),
            pltpu.VMEM((16,), jnp.float32),
        ],
    )(_sc_body)
    return f(qx, qy, qz, kx, ky, kz)



def kernel(pred_points, true_points):
    qs = jnp.concatenate([pred_points, true_points], axis=0)
    ks = jnp.concatenate([true_points, pred_points], axis=0)

    idx_tc, sum_tc = _tc_nn(qs[:, :_NQ_TC], ks.transpose(0, 2, 1))

    qsc = qs[:, _NQ_TC:]
    idx_sc, mins_sc, sums_sc = _sc_nn(
        qsc[..., 0].reshape(-1), qsc[..., 1].reshape(-1),
        qsc[..., 2].reshape(-1),
        ks[..., 0].reshape(-1), ks[..., 1].reshape(-1),
        ks[..., 2].reshape(-1),
    )

    loss = (sum_tc + jnp.sum(sums_sc)) / (_NB * _NQ)
    idxs = jnp.concatenate([idx_tc, idx_sc.reshape(_ND, _NQ_SC)], axis=1)
    return loss, idxs[:_NB], idxs[_NB:]

# --- scband reference (transcript-rebuilt; emitter-appended) ---
"""Pipeline reference for scband-criterion-31516470018681 (READ-ONLY COPY).

The authoritative reference and input builder live on the scoring server;
editing this copy changes nothing except your own understanding.
"""

import jax, jax.numpy as jnp
import numpy as np

CHUNK = 1024


def _nn_min_and_idx(q, k):
    # q: [Nq, 3], k: [Nk, 3] -> (min sq dist [Nq], argmin idx [Nq])
    # Chunked brute-force nearest neighbor (the nearest_neighbor_tensors kernel).
    def body(qc):
        d = jnp.sum((qc[:, None, :] - k[None, :, :]) ** 2, axis=-1)  # [CHUNK, Nk]
        return jnp.min(d, axis=1), jnp.argmin(d, axis=1)
    qcs = q.reshape(-1, CHUNK, q.shape[-1])
    dists, idx = jax.lax.map(body, qcs)
    return dists.reshape(-1), idx.reshape(-1)


def setup_inputs(seed: int = 0) -> dict:
    key = jax.random.key(seed)
    k1, k2 = jax.random.split(key)
    pred_points = jax.random.normal(k1, (4, 8192, 3), dtype=jnp.float32)
    true_points = jax.random.normal(k2, (4, 8192, 3), dtype=jnp.float32)
    return {"pred_points": pred_points, "true_points": true_points}


def reference(pred_points, true_points):
    # Symmetric Chamfer criterion: for each sampled pred point find the nearest
    # true point (and vice versa), as in prepare_for_surface_loss +
    # SymmetricChamferLoss. Indices correspond to vertex_data['index_sampled'].
    def per_batch(p, t):
        d_pt, idx_pt = _nn_min_and_idx(p, t)
        d_tp, idx_tp = _nn_min_and_idx(t, p)
        return jnp.mean(d_pt) + jnp.mean(d_tp), idx_pt, idx_tp
    losses, idx_pt, idx_tp = jax.vmap(per_batch)(pred_points, true_points)
    # apply_weights: loss * loss_weight (1.0) * head_weight (1.0)
    loss = jnp.mean(losses)
    return loss, idx_pt, idx_tp

if __name__ == "__main__":
    import jax
    _d = setup_inputs()
    print(jax.jit(kernel)(*tuple(_d.values())))

</pallas_src>

<mosaic_0001>
#map = affine_map<(d0, d1) -> (0)>
module attributes {stable_mosaic.version = 14 : i64} {
  func.func @_sc_body(%arg0: i32, %arg1: i32, %arg2: memref<18432xf32, #tpu.memory_space<hbm>>, %arg3: memref<18432xf32, #tpu.memory_space<hbm>>, %arg4: memref<18432xf32, #tpu.memory_space<hbm>>, %arg5: memref<65536xf32, #tpu.memory_space<hbm>>, %arg6: memref<65536xf32, #tpu.memory_space<hbm>>, %arg7: memref<65536xf32, #tpu.memory_space<hbm>>, %arg8: memref<18432xi32, #tpu.memory_space<hbm>>, %arg9: memref<18432xf32, #tpu.memory_space<hbm>>, %arg10: memref<512xf32, #tpu.memory_space<hbm>>, %arg11: memref<576xf32, #tpu.memory_space<vmem>>, %arg12: memref<576xf32, #tpu.memory_space<vmem>>, %arg13: memref<576xf32, #tpu.memory_space<vmem>>, %arg14: memref<8192xf32, #tpu.memory_space<vmem>>, %arg15: memref<8192xf32, #tpu.memory_space<vmem>>, %arg16: memref<8192xf32, #tpu.memory_space<vmem>>, %arg17: memref<576xf32, #tpu.memory_space<vmem>>, %arg18: memref<576xi32, #tpu.memory_space<vmem>>, %arg19: memref<16xf32, #tpu.memory_space<vmem>>) attributes {dimension_semantics = [#tpu.dimension_semantics<core_parallel>, #tpu.dimension_semantics<subcore_parallel>], iteration_bounds = array<i64: 2, 16>, scalar_prefetch = 0 : i64, scratch_operands = 9 : i64, tpu.core_type = #tpu.core_type<sc_vector_subcore>, window_params = [{transform_indices = #map}, {transform_indices = #map}, {transform_indices = #map}, {transform_indices = #map}, {transform_indices = #map}, {transform_indices = #map}, {transform_indices = #map}, {transform_indices = #map}, {transform_indices = #map}]} {
    %mul3A = arith.constant 2 : i32
    %mul3A_0 = arith.muli %arg1, %mul3A : i32
    %add3A = arith.addi %mul3A_0, %arg0 : i32
    %mul3A_1 = arith.constant 576 : i32
    %mul3A_2 = arith.muli %add3A, %mul3A_1 : i32
    %jit3A = arith.constant 4 : i32
    %div3A = arith.divsi %add3A, %jit3A : i32
    %sign3A = arith.constant 0 : i32
    %sign3A_3 = arith.cmpi sgt, %add3A, %sign3A : i32
    %sign3A_4 = arith.extui %sign3A_3 : i1 to i32
    %sign3A_5 = arith.constant 0 : i32
    %sign3A_6 = arith.cmpi slt, %add3A, %sign3A_5 : i32
    %sign3A_7 = arith.extui %sign3A_6 : i1 to i32
    %sign3A_8 = arith.subi %sign3A_4, %sign3A_7 : i32
    %sign3A_9 = arith.constant 0 : i32
    %sign3A_10 = arith.cmpi sgt, %jit3A, %sign3A_9 : i32
    %sign3A_11 = arith.extui %sign3A_10 : i1 to i32
    %sign3A_12 = arith.constant 0 : i32
    %sign3A_13 = arith.cmpi slt, %jit3A, %sign3A_12 : i32
    %sign3A_14 = arith.extui %sign3A_13 : i1 to i32
    %sign3A_15 = arith.subi %sign3A_11, %sign3A_14 : i32
    %ne3A = arith.cmpi ne, %sign3A_8, %sign3A_15 : i32
    %rem3A = arith.remsi %add3A, %jit3A : i32
    %ne3A_16 = arith.constant 0 : i32
    %ne3A_17 = arith.cmpi ne, %rem3A, %ne3A_16 : i32
    %and3A = arith.andi %ne3A, %ne3A_17 : i1
    %sub3A = arith.constant 1 : i32
    %sub3A_18 = arith.subi %div3A, %sub3A : i32
    %select_n3A = arith.select %and3A, %sub3A_18, %div3A : i32
    %mul3A_19 = arith.constant 8192 : i32
    %mul3A_20 = arith.muli %select_n3A, %mul3A_19 : i32
    "tpu.region"() ({
      %run_scoped3A = tpu.sem_alloc : memref<!tpu.dma_semaphore, #tpu.memory_space<semaphore_mem>>
      %dma_start3A = tpu.memref_slice %arg2[%mul3A_2] : memref<18432xf32, #tpu.memory_space<hbm>> -> memref<576xf32, #tpu.memory_space<hbm>>
      %dma_start3A_32 = tpu.memref_slice %arg2[%mul3A_2] : memref<18432xf32, #tpu.memory_space<hbm>> -> memref<576xf32, #tpu.memory_space<hbm>>
      tpu.enqueue_dma source(%dma_start3A_32 : memref<576xf32, #tpu.memory_space<hbm>>) target(%arg11 : memref<576xf32, #tpu.memory_space<vmem>>) target_semaphore(%run_scoped3A : memref<!tpu.dma_semaphore, #tpu.memory_space<semaphore_mem>>)
      %dma_wait3A = tpu.memref_slice %arg2[%mul3A_2] : memref<18432xf32, #tpu.memory_space<hbm>> -> memref<576xf32, #tpu.memory_space<hbm>>
      %dma_wait3A_33 = tpu.memref_slice %arg2[%mul3A_2] : memref<18432xf32, #tpu.memory_space<hbm>> -> memref<576xf32, #tpu.memory_space<hbm>>
      tpu.wait_dma2 semaphore(%run_scoped3A : memref<!tpu.dma_semaphore, #tpu.memory_space<semaphore_mem>>) src(%dma_wait3A_33 : memref<576xf32, #tpu.memory_space<hbm>>) dst(%arg11 : memref<576xf32, #tpu.memory_space<vmem>>)
      tpu.yield
    }) : () -> ()
    "tpu.region"() ({
      %run_scoped3A = tpu.sem_alloc : memref<!tpu.dma_semaphore, #tpu.memory_space<semaphore_mem>>
      %dma_start3A = tpu.memref_slice %arg3[%mul3A_2] : memref<18432xf32, #tpu.memory_space<hbm>> -> memref<576xf32, #tpu.memory_space<hbm>>
      %dma_start3A_32 = tpu.memref_slice %arg3[%mul3A_2] : memref<18432xf32, #tpu.memory_space<hbm>> -> memref<576xf32, #tpu.memory_space<hbm>>
      tpu.enqueue_dma source(%dma_start3A_32 : memref<576xf32, #tpu.memory_space<hbm>>) target(%arg12 : memref<576xf32, #tpu.memory_space<vmem>>) target_semaphore(%run_scoped3A : memref<!tpu.dma_semaphore, #tpu.memory_space<semaphore_mem>>)
      %dma_wait3A = tpu.memref_slice %arg3[%mul3A_2] : memref<18432xf32, #tpu.memory_space<hbm>> -> memref<576xf32, #tpu.memory_space<hbm>>
      %dma_wait3A_33 = tpu.memref_slice %arg3[%mul3A_2] : memref<18432xf32, #tpu.memory_space<hbm>> -> memref<576xf32, #tpu.memory_space<hbm>>
      tpu.wait_dma2 semaphore(%run_scoped3A : memref<!tpu.dma_semaphore, #tpu.memory_space<semaphore_mem>>) src(%dma_wait3A_33 : memref<576xf32, #tpu.memory_space<hbm>>) dst(%arg12 : memref<576xf32, #tpu.memory_space<vmem>>)
      tpu.yield
    }) : () -> ()
    "tpu.region"() ({
      %run_scoped3A = tpu.sem_alloc : memref<!tpu.dma_semaphore, #tpu.memory_space<semaphore_mem>>
      %dma_start3A = tpu.memref_slice %arg4[%mul3A_2] : memref<18432xf32, #tpu.memory_space<hbm>> -> memref<576xf32, #tpu.memory_space<hbm>>
      %dma_start3A_32 = tpu.memref_slice %arg4[%mul3A_2] : memref<18432xf32, #tpu.memory_space<hbm>> -> memref<576xf32, #tpu.memory_space<hbm>>
      tpu.enqueue_dma source(%dma_start3A_32 : memref<576xf32, #tpu.memory_space<hbm>>) target(%arg13 : memref<576xf32, #tpu.memory_space<vmem>>) target_semaphore(%run_scoped3A : memref<!tpu.dma_semaphore, #tpu.memory_space<semaphore_mem>>)
      %dma_wait3A = tpu.memref_slice %arg4[%mul3A_2] : memref<18432xf32, #tpu.memory_space<hbm>> -> memref<576xf32, #tpu.memory_space<hbm>>
      %dma_wait3A_33 = tpu.memref_slice %arg4[%mul3A_2] : memref<18432xf32, #tpu.memory_space<hbm>> -> memref<576xf32, #tpu.memory_space<hbm>>
      tpu.wait_dma2 semaphore(%run_scoped3A : memref<!tpu.dma_semaphore, #tpu.memory_space<semaphore_mem>>) src(%dma_wait3A_33 : memref<576xf32, #tpu.memory_space<hbm>>) dst(%arg13 : memref<576xf32, #tpu.memory_space<vmem>>)
      tpu.yield
    }) : () -> ()
    "tpu.region"() ({
      %run_scoped3A = tpu.sem_alloc : memref<!tpu.dma_semaphore, #tpu.memory_space<semaphore_mem>>
      %dma_start3A = tpu.memref_slice %arg5[%mul3A_20] : memref<65536xf32, #tpu.memory_space<hbm>> -> memref<8192xf32, #tpu.memory_space<hbm>>
      %dma_start3A_32 = tpu.memref_slice %arg5[%mul3A_20] : memref<65536xf32, #tpu.memory_space<hbm>> -> memref<8192xf32, #tpu.memory_space<hbm>>
      tpu.enqueue_dma source(%dma_start3A_32 : memref<8192xf32, #tpu.memory_space<hbm>>) target(%arg14 : memref<8192xf32, #tpu.memory_space<vmem>>) target_semaphore(%run_scoped3A : memref<!tpu.dma_semaphore, #tpu.memory_space<semaphore_mem>>)
      %dma_wait3A = tpu.memref_slice %arg5[%mul3A_20] : memref<65536xf32, #tpu.memory_space<hbm>> -> memref<8192xf32, #tpu.memory_space<hbm>>
      %dma_wait3A_33 = tpu.memref_slice %arg5[%mul3A_20] : memref<65536xf32, #tpu.memory_space<hbm>> -> memref<8192xf32, #tpu.memory_space<hbm>>
      tpu.wait_dma2 semaphore(%run_scoped3A : memref<!tpu.dma_semaphore, #tpu.memory_space<semaphore_mem>>) src(%dma_wait3A_33 : memref<8192xf32, #tpu.memory_space<hbm>>) dst(%arg14 : memref<8192xf32, #tpu.memory_space<vmem>>)
      tpu.yield
    }) : () -> ()
    "tpu.region"() ({
      %run_scoped3A = tpu.sem_alloc : memref<!tpu.dma_semaphore, #tpu.memory_space<semaphore_mem>>
      %dma_start3A = tpu.memref_slice %arg6[%mul3A_20] : memref<65536xf32, #tpu.memory_space<hbm>> -> memref<8192xf32, #tpu.memory_space<hbm>>
      %dma_start3A_32 = tpu.memref_slice %arg6[%mul3A_20] : memref<65536xf32, #tpu.memory_space<hbm>> -> memref<8192xf32, #tpu.memory_space<hbm>>
      tpu.enqueue_dma source(%dma_start3A_32 : memref<8192xf32, #tpu.memory_space<hbm>>) target(%arg15 : memref<8192xf32, #tpu.memory_space<vmem>>) target_semaphore(%run_scoped3A : memref<!tpu.dma_semaphore, #tpu.memory_space<semaphore_mem>>)
      %dma_wait3A = tpu.memref_slice %arg6[%mul3A_20] : memref<65536xf32, #tpu.memory_space<hbm>> -> memref<8192xf32, #tpu.memory_space<hbm>>
      %dma_wait3A_33 = tpu.memref_slice %arg6[%mul3A_20] : memref<65536xf32, #tpu.memory_space<hbm>> -> memref<8192xf32, #tpu.memory_space<hbm>>
      tpu.wait_dma2 semaphore(%run_scoped3A : memref<!tpu.dma_semaphore, #tpu.memory_space<semaphore_mem>>) src(%dma_wait3A_33 : memref<8192xf32, #tpu.memory_space<hbm>>) dst(%arg15 : memref<8192xf32, #tpu.memory_space<vmem>>)
      tpu.yield
    }) : () -> ()
    "tpu.region"() ({
      %run_scoped3A = tpu.sem_alloc : memref<!tpu.dma_semaphore, #tpu.memory_space<semaphore_mem>>
      %dma_start3A = tpu.memref_slice %arg7[%mul3A_20] : memref<65536xf32, #tpu.memory_space<hbm>> -> memref<8192xf32, #tpu.memory_space<hbm>>
      %dma_start3A_32 = tpu.memref_slice %arg7[%mul3A_20] : memref<65536xf32, #tpu.memory_space<hbm>> -> memref<8192xf32, #tpu.memory_space<hbm>>
      tpu.enqueue_dma source(%dma_start3A_32 : memref<8192xf32, #tpu.memory_space<hbm>>) target(%arg16 : memref<8192xf32, #tpu.memory_space<vmem>>) target_semaphore(%run_scoped3A : memref<!tpu.dma_semaphore, #tpu.memory_space<semaphore_mem>>)
      %dma_wait3A = tpu.memref_slice %arg7[%mul3A_20] : memref<65536xf32, #tpu.memory_space<hbm>> -> memref<8192xf32, #tpu.memory_space<hbm>>
      %dma_wait3A_33 = tpu.memref_slice %arg7[%mul3A_20] : memref<65536xf32, #tpu.memory_space<hbm>> -> memref<8192xf32, #tpu.memory_space<hbm>>
      tpu.wait_dma2 semaphore(%run_scoped3A : memref<!tpu.dma_semaphore, #tpu.memory_space<semaphore_mem>>) src(%dma_wait3A_33 : memref<8192xf32, #tpu.memory_space<hbm>>) dst(%arg16 : memref<8192xf32, #tpu.memory_space<vmem>>)
      tpu.yield
    }) : () -> ()
    %broadcast_in_dim3A = arith.constant 0.000000e+00 : f32
    %broadcast_in_dim3A_21 = vector.broadcast %broadcast_in_dim3A : f32 to vector<16xf32>
    %scan3A = arith.constant 0 : i32
    %scan3A_22 = arith.constant 18 : i32
    %scan3A_23 = arith.addi %scan3A, %scan3A_22 : i32
    %scan3A_24 = arith.constant 1 : i32
    %scan3A_25 = scf.for %scan3A_32 = %scan3A to %scan3A_23 step %scan3A_24 iter_args(%scan3A_33 = %broadcast_in_dim3A_21) -> (vector<16xf32>)  : i32 {
      %mul3A_34 = arith.constant 16 : i32
      %mul3A_35 = arith.muli %scan3A_32, %mul3A_34 : i32
      %mul3A_36 = arith.constant 2 : i32
      %mul3A_37 = arith.muli %mul3A_35, %mul3A_36 : i32
      %add3A_38 = arith.constant 0 : i32
      %add3A_39 = arith.addi %mul3A_37, %add3A_38 : i32
      %get3A = arith.index_cast %add3A_39 : i32 to index
      %get3A_40 = tpu.vector_load %arg11[%get3A] {strides = array<i32>} : memref<576xf32, #tpu.memory_space<vmem>>, vector<16xf32>,
      %get3A_41 = vector.shape_cast %get3A_40 : vector<16xf32> to vector<16xf32>
      %mul3A_42 = arith.constant 16 : i32
      %mul3A_43 = arith.muli %scan3A_32, %mul3A_42 : i32
      %mul3A_44 = arith.constant 2 : i32
      %mul3A_45 = arith.muli %mul3A_43, %mul3A_44 : i32
      %add3A_46 = arith.constant 16 : i32
      %add3A_47 = arith.addi %mul3A_45, %add3A_46 : i32
      %get3A_48 = arith.index_cast %add3A_47 : i32 to index
      %get3A_49 = tpu.vector_load %arg11[%get3A_48] {strides = array<i32>} : memref<576xf32, #tpu.memory_space<vmem>>, vector<16xf32>,
      %get3A_50 = vector.shape_cast %get3A_49 : vector<16xf32> to vector<16xf32>
      %mul3A_51 = arith.constant 16 : i32
      %mul3A_52 = arith.muli %scan3A_32, %mul3A_51 : i32
      %mul3A_53 = arith.constant 2 : i32
      %mul3A_54 = arith.muli %mul3A_52, %mul3A_53 : i32
      %add3A_55 = arith.constant 0 : i32
      %add3A_56 = arith.addi %mul3A_54, %add3A_55 : i32
      %get3A_57 = arith.index_cast %add3A_56 : i32 to index
      %get3A_58 = tpu.vector_load %arg12[%get3A_57] {strides = array<i32>} : memref<576xf32, #tpu.memory_space<vmem>>, vector<16xf32>,
      %get3A_59 = vector.shape_cast %get3A_58 : vector<16xf32> to vector<16xf32>
      %mul3A_60 = arith.constant 16 : i32
      %mul3A_61 = arith.muli %scan3A_32, %mul3A_60 : i32
      %mul3A_62 = arith.constant 2 : i32
      %mul3A_63 = arith.muli %mul3A_61, %mul3A_62 : i32
      %add3A_64 = arith.constant 16 : i32
      %add3A_65 = arith.addi %mul3A_63, %add3A_64 : i32
      %get3A_66 = arith.index_cast %add3A_65 : i32 to index
      %get3A_67 = tpu.vector_load %arg12[%get3A_66] {strides = array<i32>} : memref<576xf32, #tpu.memory_space<vmem>>, vector<16xf32>,
      %get3A_68 = vector.shape_cast %get3A_67 : vector<16xf32> to vector<16xf32>
      %mul3A_69 = arith.constant 16 : i32
      %mul3A_70 = arith.muli %scan3A_32, %mul3A_69 : i32
      %mul3A_71 = arith.constant 2 : i32
      %mul3A_72 = arith.muli %mul3A_70, %mul3A_71 : i32
      %add3A_73 = arith.constant 0 : i32
      %add3A_74 = arith.addi %mul3A_72, %add3A_73 : i32
      %get3A_75 = arith.index_cast %add3A_74 : i32 to index
      %get3A_76 = tpu.vector_load %arg13[%get3A_75] {strides = array<i32>} : memref<576xf32, #tpu.memory_space<vmem>>, vector<16xf32>,
      %get3A_77 = vector.shape_cast %get3A_76 : vector<16xf32> to vector<16xf32>
      %mul3A_78 = arith.constant 16 : i32
      %mul3A_79 = arith.muli %scan3A_32, %mul3A_78 : i32
      %mul3A_80 = arith.constant 2 : i32
      %mul3A_81 = arith.muli %mul3A_79, %mul3A_80 : i32
      %add3A_82 = arith.constant 16 : i32
      %add3A_83 = arith.addi %mul3A_81, %add3A_82 : i32
      %get3A_84 = arith.index_cast %add3A_83 : i32 to index
      %get3A_85 = tpu.vector_load %arg13[%get3A_84] {strides = array<i32>} : memref<576xf32, #tpu.memory_space<vmem>>, vector<16xf32>,
      %get3A_86 = vector.shape_cast %get3A_85 : vector<16xf32> to vector<16xf32>
      %broadcast_in_dim3A_87 = arith.constant 0x7F800000 : f32
      %broadcast_in_dim3A_88 = vector.broadcast %broadcast_in_dim3A_87 : f32 to vector<16xf32>
      %broadcast_in_dim3A_89 = arith.constant 0.000000e+00 : f32
      %broadcast_in_dim3A_90 = vector.broadcast %broadcast_in_dim3A_89 : f32 to vector<16xf32>
      %scan3A_91 = arith.constant 0 : i32
      %scan3A_92 = arith.constant 512 : i32
      %scan3A_93 = arith.addi %scan3A_91, %scan3A_92 : i32
      %scan3A_94 = arith.constant 1 : i32
      %scan3A_95:4 = scf.for %scan3A_140 = %scan3A_91 to %scan3A_93 step %scan3A_94 iter_args(%scan3A_141 = %broadcast_in_dim3A_88, %scan3A_142 = %broadcast_in_dim3A_88, %scan3A_143 = %broadcast_in_dim3A_90, %scan3A_144 = %broadcast_in_dim3A_90) -> (vector<16xf32>, vector<16xf32>, vector<16xf32>, vector<16xf32>)  : i32 {
        %mul3A_145 = arith.constant 16 : i32
        %mul3A_146 = arith.muli %scan3A_140, %mul3A_145 : i32
        %get3A_147 = arith.index_cast %mul3A_146 : i32 to index
        %get3A_148 = tpu.vector_load %arg14[%get3A_147] {strides = array<i32>} : memref<8192xf32, #tpu.memory_space<vmem>>, vector<16xf32>,
        %get3A_149 = vector.shape_cast %get3A_148 : vector<16xf32> to vector<16xf32>
        %mul3A_150 = arith.constant 16 : i32
        %mul3A_151 = arith.muli %scan3A_140, %mul3A_150 : i32
        %get3A_152 = arith.index_cast %mul3A_151 : i32 to index
        %get3A_153 = tpu.vector_load %arg15[%get3A_152] {strides = array<i32>} : memref<8192xf32, #tpu.memory_space<vmem>>, vector<16xf32>,
        %get3A_154 = vector.shape_cast %get3A_153 : vector<16xf32> to vector<16xf32>
        %mul3A_155 = arith.constant 16 : i32
        %mul3A_156 = arith.muli %scan3A_140, %mul3A_155 : i32
        %get3A_157 = arith.index_cast %mul3A_156 : i32 to index
        %get3A_158 = tpu.vector_load %arg16[%get3A_157] {strides = array<i32>} : memref<8192xf32, #tpu.memory_space<vmem>>, vector<16xf32>,
        %get3A_159 = vector.shape_cast %get3A_158 : vector<16xf32> to vector<16xf32>
        %mul3A_160 = arith.constant 16 : i32
        %mul3A_161 = arith.muli %scan3A_140, %mul3A_160 : i32
        %convert_element_type3A_162 = arith.sitofp %mul3A_161 : i32 to f32
        %slice3A = vector.extract_strided_slice %get3A_149 {offsets = [0], sizes = [1], strides = [1]} : vector<16xf32> to vector<1xf32>
        %broadcast_in_dim3A_163 = vector.shape_cast %slice3A : vector<1xf32> to vector<1xf32>
        %broadcast_in_dim3A_164 = vector.broadcast %broadcast_in_dim3A_163 : vector<1xf32> to vector<16xf32>
        %slice3A_165 = vector.extract_strided_slice %get3A_154 {offsets = [0], sizes = [1], strides = [1]} : vector<16xf32> to vector<1xf32>
        %broadcast_in_dim3A_166 = vector.shape_cast %slice3A_165 : vector<1xf32> to vector<1xf32>
        %broadcast_in_dim3A_167 = vector.broadcast %broadcast_in_dim3A_166 : vector<1xf32> to vector<16xf32>
        %slice3A_168 = vector.extract_strided_slice %get3A_159 {offsets = [0], sizes = [1], strides = [1]} : vector<16xf32> to vector<1xf32>
        %broadcast_in_dim3A_169 = vector.shape_cast %slice3A_168 : vector<1xf32> to vector<1xf32>
        %broadcast_in_dim3A_170 = vector.broadcast %broadcast_in_dim3A_169 : vector<1xf32> to vector<16xf32>
        %add3A_171 = arith.constant 0.000000e+00 : f32
        %add3A_172 = arith.addf %convert_element_type3A_162, %add3A_171 : f32
        %sub3A_173 = arith.subf %get3A_41, %broadcast_in_dim3A_164 : vector<16xf32>
        %sub3A_174 = arith.subf %get3A_59, %broadcast_in_dim3A_167 : vector<16xf32>
        %sub3A_175 = arith.subf %get3A_77, %broadcast_in_dim3A_170 : vector<16xf32>
        %mul3A_176 = arith.mulf %sub3A_173, %sub3A_173 : vector<16xf32>
        %mul3A_177 = arith.mulf %sub3A_174, %sub3A_174 : vector<16xf32>
        %add3A_178 = arith.addf %mul3A_176, %mul3A_177 : vector<16xf32>
        %mul3A_179 = arith.mulf %sub3A_175, %sub3A_175 : vector<16xf32>
        %add3A_180 = arith.addf %add3A_178, %mul3A_179 : vector<16xf32>
        %lt3A = arith.cmpf olt, %add3A_180, %scan3A_141 : vector<16xf32>
        %min3A = arith.minimumf %scan3A_141, %add3A_180 : vector<16xf32>
        %broadcast_in_dim3A_181 = vector.broadcast %add3A_172 : f32 to vector<16xf32>
        %select_n3A_182 = arith.select %lt3A, %broadcast_in_dim3A_181, %scan3A_143 : vector<16xi1>, vector<16xf32>
        %sub3A_183 = arith.subf %get3A_50, %broadcast_in_dim3A_164 : vector<16xf32>
        %sub3A_184 = arith.subf %get3A_68, %broadcast_in_dim3A_167 : vector<16xf32>
        %sub3A_185 = arith.subf %get3A_86, %broadcast_in_dim3A_170 : vector<16xf32>
        %mul3A_186 = arith.mulf %sub3A_183, %sub3A_183 : vector<16xf32>
        %mul3A_187 = arith.mulf %sub3A_184, %sub3A_184 : vector<16xf32>
        %add3A_188 = arith.addf %mul3A_186, %mul3A_187 : vector<16xf32>
        %mul3A_189 = arith.mulf %sub3A_185, %sub3A_185 : vector<16xf32>
        %add3A_190 = arith.addf %add3A_188, %mul3A_189 : vector<16xf32>
        %lt3A_191 = arith.cmpf olt, %add3A_190, %scan3A_142 : vector<16xf32>
        %min3A_192 = arith.minimumf %scan3A_142, %add3A_190 : vector<16xf32>
        %broadcast_in_dim3A_193 = vector.broadcast %add3A_172 : f32 to vector<16xf32>
        %select_n3A_194 = arith.select %lt3A_191, %broadcast_in_dim3A_193, %scan3A_144 : vector<16xi1>, vector<16xf32>
        %slice3A_195 = vector.extract_strided_slice %get3A_149 {offsets = [1], sizes = [1], strides = [1]} : vector<16xf32> to vector<1xf32>
        %broadcast_in_dim3A_196 = vector.shape_cast %slice3A_195 : vector<1xf32> to vector<1xf32>
        %broadcast_in_dim3A_197 = vector.broadcast %broadcast_in_dim3A_196 : vector<1xf32> to vector<16xf32>
        %slice3A_198 = vector.extract_strided_slice %get3A_154 {offsets = [1], sizes = [1], strides = [1]} : vector<16xf32> to vector<1xf32>
        %broadcast_in_dim3A_199 = vector.shape_cast %slice3A_198 : vector<1xf32> to vector<1xf32>
        %broadcast_in_dim3A_200 = vector.broadcast %broadcast_in_dim3A_199 : vector<1xf32> to vector<16xf32>
        %slice3A_201 = vector.extract_strided_slice %get3A_159 {offsets = [1], sizes = [1], strides = [1]} : vector<16xf32> to vector<1xf32>
        %broadcast_in_dim3A_202 = vector.shape_cast %slice3A_201 : vector<1xf32> to vector<1xf32>
        %broadcast_in_dim3A_203 = vector.broadcast %broadcast_in_dim3A_202 : vector<1xf32> to vector<16xf32>
        %add3A_204 = arith.constant 1.000000e+00 : f32
        %add3A_205 = arith.addf %convert_element_type3A_162, %add3A_204 : f32
        %sub3A_206 = arith.subf %get3A_41, %broadcast_in_dim3A_197 : vector<16xf32>
        %sub3A_207 = arith.subf %get3A_59, %broadcast_in_dim3A_200 : vector<16xf32>
        %sub3A_208 = arith.subf %get3A_77, %broadcast_in_dim3A_203 : vector<16xf32>
        %mul3A_209 = arith.mulf %sub3A_206, %sub3A_206 : vector<16xf32>
        %mul3A_210 = arith.mulf %sub3A_207, %sub3A_207 : vector<16xf32>
        %add3A_211 = arith.addf %mul3A_209, %mul3A_210 : vector<16xf32>
        %mul3A_212 = arith.mulf %sub3A_208, %sub3A_208 : vector<16xf32>
        %add3A_213 = arith.addf %add3A_211, %mul3A_212 : vector<16xf32>
        %lt3A_214 = arith.cmpf olt, %add3A_213, %min3A : vector<16xf32>
        %min3A_215 = arith.minimumf %min3A, %add3A_213 : vector<16xf32>
        %broadcast_in_dim3A_216 = vector.broadcast %add3A_205 : f32 to vector<16xf32>
        %select_n3A_217 = arith.select %lt3A_214, %broadcast_in_dim3A_216, %select_n3A_182 : vector<16xi1>, vector<16xf32>
        %sub3A_218 = arith.subf %get3A_50, %broadcast_in_dim3A_197 : vector<16xf32>
        %sub3A_219 = arith.subf %get3A_68, %broadcast_in_dim3A_200 : vector<16xf32>
        %sub3A_220 = arith.subf %get3A_86, %broadcast_in_dim3A_203 : vector<16xf32>
        %mul3A_221 = arith.mulf %sub3A_218, %sub3A_218 : vector<16xf32>
        %mul3A_222 = arith.mulf %sub3A_219, %sub3A_219 : vector<16xf32>
        %add3A_223 = arith.addf %mul3A_221, %mul3A_222 : vector<16xf32>
        %mul3A_224 = arith.mulf %sub3A_220, %sub3A_220 : vector<16xf32>
        %add3A_225 = arith.addf %add3A_223, %mul3A_224 : vector<16xf32>
        %lt3A_226 = arith.cmpf olt, %add3A_225, %min3A_192 : vector<16xf32>
        %min3A_227 = arith.minimumf %min3A_192, %add3A_225 : vector<16xf32>
        %broadcast_in_dim3A_228 = vector.broadcast %add3A_205 : f32 to vector<16xf32>
        %select_n3A_229 = arith.select %lt3A_226, %broadcast_in_dim3A_228, %select_n3A_194 : vector<16xi1>, vector<16xf32>
        %slice3A_230 = vector.extract_strided_slice %get3A_149 {offsets = [2], sizes = [1], strides = [1]} : vector<16xf32> to vector<1xf32>
        %broadcast_in_dim3A_231 = vector.shape_cast %slice3A_230 : vector<1xf32> to vector<1xf32>
        %broadcast_in_dim3A_232 = vector.broadcast %broadcast_in_dim3A_231 : vector<1xf32> to vector<16xf32>
        %slice3A_233 = vector.extract_strided_slice %get3A_154 {offsets = [2], sizes = [1], strides = [1]} : vector<16xf32> to vector<1xf32>
        %broadcast_in_dim3A_234 = vector.shape_cast %slice3A_233 : vector<1xf32> to vector<1xf32>
        %broadcast_in_dim3A_235 = vector.broadcast %broadcast_in_dim3A_234 : vector<1xf32> to vector<16xf32>
        %slice3A_236 = vector.extract_strided_slice %get3A_159 {offsets = [2], sizes = [1], strides = [1]} : vector<16xf32> to vector<1xf32>
        %broadcast_in_dim3A_237 = vector.shape_cast %slice3A_236 : vector<1xf32> to vector<1xf32>
        %broadcast_in_dim3A_238 = vector.broadcast %broadcast_in_dim3A_237 : vector<1xf32> to vector<16xf32>
        %add3A_239 = arith.constant 2.000000e+00 : f32
        %add3A_240 = arith.addf %convert_element_type3A_162, %add3A_239 : f32
        %sub3A_241 = arith.subf %get3A_41, %broadcast_in_dim3A_232 : vector<16xf32>
        %sub3A_242 = arith.subf %get3A_59, %broadcast_in_dim3A_235 : vector<16xf32>
        %sub3A_243 = arith.subf %get3A_77, %broadcast_in_dim3A_238 : vector<16xf32>
        %mul3A_244 = arith.mulf %sub3A_241, %sub3A_241 : vector<16xf32>
        %mul3A_245 = arith.mulf %sub3A_242, %sub3A_242 : vector<16xf32>
        %add3A_246 = arith.addf %mul3A_244, %mul3A_245 : vector<16xf32>
        %mul3A_247 = arith.mulf %sub3A_243, %sub3A_243 : vector<16xf32>
        %add3A_248 = arith.addf %add3A_246, %mul3A_247 : vector<16xf32>
        %lt3A_249 = arith.cmpf olt, %add3A_248, %min3A_215 : vector<16xf32>
        %min3A_250 = arith.minimumf %min3A_215, %add3A_248 : vector<16xf32>
        %broadcast_in_dim3A_251 = vector.broadcast %add3A_240 : f32 to vector<16xf32>
        %select_n3A_252 = arith.select %lt3A_249, %broadcast_in_dim3A_251, %select_n3A_217 : vector<16xi1>, vector<16xf32>
        %sub3A_253 = arith.subf %get3A_50, %broadcast_in_dim3A_232 : vector<16xf32>
        %sub3A_254 = arith.subf %get3A_68, %broadcast_in_dim3A_235 : vector<16xf32>
        %sub3A_255 = arith.subf %get3A_86, %broadcast_in_dim3A_238 : vector<16xf32>
        %mul3A_256 = arith.mulf %sub3A_253, %sub3A_253 : vector<16xf32>
        %mul3A_257 = arith.mulf %sub3A_254, %sub3A_254 : vector<16xf32>
        %add3A_258 = arith.addf %mul3A_256, %mul3A_257 : vector<16xf32>
        %mul3A_259 = arith.mulf %sub3A_255, %sub3A_255 : vector<16xf32>
        %add3A_260 = arith.addf %add3A_258, %mul3A_259 : vector<16xf32>
        %lt3A_261 = arith.cmpf olt, %add3A_260, %min3A_227 : vector<16xf32>
        %min3A_262 = arith.minimumf %min3A_227, %add3A_260 : vector<16xf32>
        %broadcast_in_dim3A_263 = vector.broadcast %add3A_240 : f32 to vector<16xf32>
        %select_n3A_264 = arith.select %lt3A_261, %broadcast_in_dim3A_263, %select_n3A_229 : vector<16xi1>, vector<16xf32>
        %slice3A_265 = vector.extract_strided_slice %get3A_149 {offsets = [3], sizes = [1], strides = [1]} : vector<16xf32> to vector<1xf32>
        %broadcast_in_dim3A_266 = vector.shape_cast %slice3A_265 : vector<1xf32> to vector<1xf32>
        %broadcast_in_dim3A_267 = vector.broadcast %broadcast_in_dim3A_266 : vector<1xf32> to vector<16xf32>
        %slice3A_268 = vector.extract_strided_slice %get3A_154 {offsets = [3], sizes = [1], strides = [1]} : vector<16xf32> to vector<1xf32>
        %broadcast_in_dim3A_269 = vector.shape_cast %slice3A_268 : vector<1xf32> to vector<1xf32>
        %broadcast_in_dim3A_270 = vector.broadcast %broadcast_in_dim3A_269 : vector<1xf32> to vector<16xf32>
        %slice3A_271 = vector.extract_strided_slice %get3A_159 {offsets = [3], sizes = [1], strides = [1]} : vector<16xf32> to vector<1xf32>
        %broadcast_in_dim3A_272 = vector.shape_cast %slice3A_271 : vector<1xf32> to vector<1xf32>
        %broadcast_in_dim3A_273 = vector.broadcast %broadcast_in_dim3A_272 : vector<1xf32> to vector<16xf32>
        %add3A_274 = arith.constant 3.000000e+00 : f32
        %add3A_275 = arith.addf %convert_element_type3A_162, %add3A_274 : f32
        %sub3A_276 = arith.subf %get3A_41, %broadcast_in_dim3A_267 : vector<16xf32>
        %sub3A_277 = arith.subf %get3A_59, %broadcast_in_dim3A_270 : vector<16xf32>
        %sub3A_278 = arith.subf %get3A_77, %broadcast_in_dim3A_273 : vector<16xf32>
        %mul3A_279 = arith.mulf %sub3A_276, %sub3A_276 : vector<16xf32>
        %mul3A_280 = arith.mulf %sub3A_277, %sub3A_277 : vector<16xf32>
        %add3A_281 = arith.addf %mul3A_279, %mul3A_280 : vector<16xf32>
        %mul3A_282 = arith.mulf %sub3A_278, %sub3A_278 : vector<16xf32>
        %add3A_283 = arith.addf %add3A_281, %mul3A_282 : vector<16xf32>
        %lt3A_284 = arith.cmpf olt, %add3A_283, %min3A_250 : vector<16xf32>
        %min3A_285 = arith.minimumf %min3A_250, %add3A_283 : vector<16xf32>
        %broadcast_in_dim3A_286 = vector.broadcast %add3A_275 : f32 to vector<16xf32>
        %select_n3A_287 = arith.select %lt3A_284, %broadcast_in_dim3A_286, %select_n3A_252 : vector<16xi1>, vector<16xf32>
        %sub3A_288 = arith.subf %get3A_50, %broadcast_in_dim3A_267 : vector<16xf32>
        %sub3A_289 = arith.subf %get3A_68, %broadcast_in_dim3A_270 : vector<16xf32>
        %sub3A_290 = arith.subf %get3A_86, %broadcast_in_dim3A_273 : vector<16xf32>
        %mul3A_291 = arith.mulf %sub3A_288, %sub3A_288 : vector<16xf32>
        %mul3A_292 = arith.mulf %sub3A_289, %sub3A_289 : vector<16xf32>
        %add3A_293 = arith.addf %mul3A_291, %mul3A_292 : vector<16xf32>
        %mul3A_294 = arith.mulf %sub3A_290, %sub3A_290 : vector<16xf32>
        %add3A_295 = arith.addf %add3A_293, %mul3A_294 : vector<16xf32>
        %lt3A_296 = arith.cmpf olt, %add3A_295, %min3A_262 : vector<16xf32>
        %min3A_297 = arith.minimumf %min3A_262, %add3A_295 : vector<16xf32>
        %broadcast_in_dim3A_298 = vector.broadcast %add3A_275 : f32 to vector<16xf32>
        %select_n3A_299 = arith.select %lt3A_296, %broadcast_in_dim3A_298, %select_n3A_264 : vector<16xi1>, vector<16xf32>
        %slice3A_300 = vector.extract_strided_slice %get3A_149 {offsets = [4], sizes = [1], strides = [1]} : vector<16xf32> to vector<1xf32>
        %broadcast_in_dim3A_301 = vector.shape_cast %slice3A_300 : vector<1xf32> to vector<1xf32>
        %broadcast_in_dim3A_302 = vector.broadcast %broadcast_in_dim3A_301 : vector<1xf32> to vector<16xf32>
        %slice3A_303 = vector.extract_strided_slice %get3A_154 {offsets = [4], sizes = [1], strides = [1]} : vector<16xf32> to vector<1xf32>
        %broadcast_in_dim3A_304 = vector.shape_cast %slice3A_303 : vector<1xf32> to vector<1xf32>
        %broadcast_in_dim3A_305 = vector.broadcast %broadcast_in_dim3A_304 : vector<1xf32> to vector<16xf32>
        %slice3A_306 = vector.extract_strided_slice %get3A_159 {offsets = [4], sizes = [1], strides = [1]} : vector<16xf32> to vector<1xf32>
        %broadcast_in_dim3A_307 = vector.shape_cast %slice3A_306 : vector<1xf32> to vector<1xf32>
        %broadcast_in_dim3A_308 = vector.broadcast %broadcast_in_dim3A_307 : vector<1xf32> to vector<16xf32>
        %add3A_309 = arith.constant 4.000000e+00 : f32
        %add3A_310 = arith.addf %convert_element_type3A_162, %add3A_309 : f32
        %sub3A_311 = arith.subf %get3A_41, %broadcast_in_dim3A_302 : vector<16xf32>
        %sub3A_312 = arith.subf %get3A_59, %broadcast_in_dim3A_305 : vector<16xf32>
        %sub3A_313 = arith.subf %get3A_77, %broadcast_in_dim3A_308 : vector<16xf32>
        %mul3A_314 = arith.mulf %sub3A_311, %sub3A_311 : vector<16xf32>
        %mul3A_315 = arith.mulf %sub3A_312, %sub3A_312 : vector<16xf32>
        %add3A_316 = arith.addf %mul3A_314, %mul3A_315 : vector<16xf32>
        %mul3A_317 = arith.mulf %sub3A_313, %sub3A_313 : vector<16xf32>
        %add3A_318 = arith.addf %add3A_316, %mul3A_317 : vector<16xf32>
        %lt3A_319 = arith.cmpf olt, %add3A_318, %min3A_285 : vector<16xf32>
        %min3A_320 = arith.minimumf %min3A_285, %add3A_318 : vector<16xf32>
        %broadcast_in_dim3A_321 = vector.broadcast %add3A_310 : f32 to vector<16xf32>
        %select_n3A_322 = arith.select %lt3A_319, %broadcast_in_dim3A_321, %select_n3A_287 : vector<16xi1>, vector<16xf32>
        %sub3A_323 = arith.subf %get3A_50, %broadcast_in_dim3A_302 : vector<16xf32>
        %sub3A_324 = arith.subf %get3A_68, %broadcast_in_dim3A_305 : vector<16xf32>
        %sub3A_325 = arith.subf %get3A_86, %broadcast_in_dim3A_308 : vector<16xf32>
        %mul3A_326 = arith.mulf %sub3A_323, %sub3A_323 : vector<16xf32>
        %mul3A_327 = arith.mulf %sub3A_324, %sub3A_324 : vector<16xf32>
        %add3A_328 = arith.addf %mul3A_326, %mul3A_327 : vector<16xf32>
        %mul3A_329 = arith.mulf %sub3A_325, %sub3A_325 : vector<16xf32>
        %add3A_330 = arith.addf %add3A_328, %mul3A_329 : vector<16xf32>
        %lt3A_331 = arith.cmpf olt, %add3A_330, %min3A_297 : vector<16xf32>
        %min3A_332 = arith.minimumf %min3A_297, %add3A_330 : vector<16xf32>
        %broadcast_in_dim3A_333 = vector.broadcast %add3A_310 : f32 to vector<16xf32>
        %select_n3A_334 = arith.select %lt3A_331, %broadcast_in_dim3A_333, %select_n3A_299 : vector<16xi1>, vector<16xf32>
        %slice3A_335 = vector.extract_strided_slice %get3A_149 {offsets = [5], sizes = [1], strides = [1]} : vector<16xf32> to vector<1xf32>
        %broadcast_in_dim3A_336 = vector.shape_cast %slice3A_335 : vector<1xf32> to vector<1xf32>
        %broadcast_in_dim3A_337 = vector.broadcast %broadcast_in_dim3A_336 : vector<1xf32> to vector<16xf32>
        %slice3A_338 = vector.extract_strided_slice %get3A_154 {offsets = [5], sizes = [1], strides = [1]} : vector<16xf32> to vector<1xf32>
        %broadcast_in_dim3A_339 = vector.shape_cast %slice3A_338 : vector<1xf32> to vector<1xf32>
        %broadcast_in_dim3A_340 = vector.broadcast %broadcast_in_dim3A_339 : vector<1xf32> to vector<16xf32>
        %slice3A_341 = vector.extract_strided_slice %get3A_159 {offsets = [5], sizes = [1], strides = [1]} : vector<16xf32> to vector<1xf32>
        %broadcast_in_dim3A_342 = vector.shape_cast %slice3A_341 : vector<1xf32> to vector<1xf32>
        %broadcast_in_dim3A_343 = vector.broadcast %broadcast_in_dim3A_342 : vector<1xf32> to vector<16xf32>
        %add3A_344 = arith.constant 5.000000e+00 : f32
        %add3A_345 = arith.addf %convert_element_type3A_162, %add3A_344 : f32
        %sub3A_346 = arith.subf %get3A_41, %broadcast_in_dim3A_337 : vector<16xf32>
        %sub3A_347 = arith.subf %get3A_59, %broadcast_in_dim3A_340 : vector<16xf32>
        %sub3A_348 = arith.subf %get3A_77, %broadcast_in_dim3A_343 : vector<16xf32>
        %mul3A_349 = arith.mulf %sub3A_346, %sub3A_346 : vector<16xf32>
        %mul3A_350 = arith.mulf %sub3A_347, %sub3A_347 : vector<16xf32>
        %add3A_351 = arith.addf %mul3A_349, %mul3A_350 : vector<16xf32>
        %mul3A_352 = arith.mulf %sub3A_348, %sub3A_348 : vector<16xf32>
        %add3A_353 = arith.addf %add3A_351, %mul3A_352 : vector<16xf32>
        %lt3A_354 = arith.cmpf olt, %add3A_353, %min3A_320 : vector<16xf32>
        %min3A_355 = arith.minimumf %min3A_320, %add3A_353 : vector<16xf32>
        %broadcast_in_dim3A_356 = vector.broadcast %add3A_345 : f32 to vector<16xf32>
        %select_n3A_357 = arith.select %lt3A_354, %broadcast_in_dim3A_356, %select_n3A_322 : vector<16xi1>, vector<16xf32>
        %sub3A_358 = arith.subf %get3A_50, %broadcast_in_dim3A_337 : vector<16xf32>
        %sub3A_359 = arith.subf %get3A_68, %broadcast_in_dim3A_340 : vector<16xf32>
        %sub3A_360 = arith.subf %get3A_86, %broadcast_in_dim3A_343 : vector<16xf32>
        %mul3A_361 = arith.mulf %sub3A_358, %sub3A_358 : vector<16xf32>
        %mul3A_362 = arith.mulf %sub3A_359, %sub3A_359 : vector<16xf32>
        %add3A_363 = arith.addf %mul3A_361, %mul3A_362 : vector<16xf32>
        %mul3A_364 = arith.mulf %sub3A_360, %sub3A_360 : vector<16xf32>
        %add3A_365 = arith.addf %add3A_363, %mul3A_364 : vector<16xf32>
        %lt3A_366 = arith.cmpf olt, %add3A_365, %min3A_332 : vector<16xf32>
        %min3A_367 = arith.minimumf %min3A_332, %add3A_365 : vector<16xf32>
        %broadcast_in_dim3A_368 = vector.broadcast %add3A_345 : f32 to vector<16xf32>
        %select_n3A_369 = arith.select %lt3A_366, %broadcast_in_dim3A_368, %select_n3A_334 : vector<16xi1>, vector<16xf32>
        %slice3A_370 = vector.extract_strided_slice %get3A_149 {offsets = [6], sizes = [1], strides = [1]} : vector<16xf32> to vector<1xf32>
        %broadcast_in_dim3A_371 = vector.shape_cast %slice3A_370 : vector<1xf32> to vector<1xf32>
        %broadcast_in_dim3A_372 = vector.broadcast %broadcast_in_dim3A_371 : vector<1xf32> to vector<16xf32>
        %slice3A_373 = vector.extract_strided_slice %get3A_154 {offsets = [6], sizes = [1], strides = [1]} : vector<16xf32> to vector<1xf32>
        %broadcast_in_dim3A_374 = vector.shape_cast %slice3A_373 : vector<1xf32> to vector<1xf32>
        %broadcast_in_dim3A_375 = vector.broadcast %broadcast_in_dim3A_374 : vector<1xf32> to vector<16xf32>
        %slice3A_376 = vector.extract_strided_slice %get3A_159 {offsets = [6], sizes = [1], strides = [1]} : vector<16xf32> to vector<1xf32>
        %broadcast_in_dim3A_377 = vector.shape_cast %slice3A_376 : vector<1xf32> to vector<1xf32>
        %broadcast_in_dim3A_378 = vector.broadcast %broadcast_in_dim3A_377 : vector<1xf32> to vector<16xf32>
        %add3A_379 = arith.constant 6.000000e+00 : f32
        %add3A_380 = arith.addf %convert_element_type3A_162, %add3A_379 : f32
        %sub3A_381 = arith.subf %get3A_41, %broadcast_in_dim3A_372 : vector<16xf32>
        %sub3A_382 = arith.subf %get3A_59, %broadcast_in_dim3A_375 : vector<16xf32>
        %sub3A_383 = arith.subf %get3A_77, %broadcast_in_dim3A_378 : vector<16xf32>
        %mul3A_384 = arith.mulf %sub3A_381, %sub3A_381 : vector<16xf32>
        %mul3A_385 = arith.mulf %sub3A_382, %sub3A_382 : vector<16xf32>
        %add3A_386 = arith.addf %mul3A_384, %mul3A_385 : vector<16xf32>
        %mul3A_387 = arith.mulf %sub3A_383, %sub3A_383 : vector<16xf32>
        %add3A_388 = arith.addf %add3A_386, %mul3A_387 : vector<16xf32>
        %lt3A_389 = arith.cmpf olt, %add3A_388, %min3A_355 : vector<16xf32>
        %min3A_390 = arith.minimumf %min3A_355, %add3A_388 : vector<16xf32>
        %broadcast_in_dim3A_391 = vector.broadcast %add3A_380 : f32 to vector<16xf32>
        %select_n3A_392 = arith.select %lt3A_389, %broadcast_in_dim3A_391, %select_n3A_357 : vector<16xi1>, vector<16xf32>
        %sub3A_393 = arith.subf %get3A_50, %broadcast_in_dim3A_372 : vector<16xf32>
        %sub3A_394 = arith.subf %get3A_68, %broadcast_in_dim3A_375 : vector<16xf32>
        %sub3A_395 = arith.subf %get3A_86, %broadcast_in_dim3A_378 : vector<16xf32>
        %mul3A_396 = arith.mulf %sub3A_393, %sub3A_393 : vector<16xf32>
        %mul3A_397 = arith.mulf %sub3A_394, %sub3A_394 : vector<16xf32>
        %add3A_398 = arith.addf %mul3A_396, %mul3A_397 : vector<16xf32>
        %mul3A_399 = arith.mulf %sub3A_395, %sub3A_395 : vector<16xf32>
        %add3A_400 = arith.addf %add3A_398, %mul3A_399 : vector<16xf32>
        %lt3A_401 = arith.cmpf olt, %add3A_400, %min3A_367 : vector<16xf32>
        %min3A_402 = arith.minimumf %min3A_367, %add3A_400 : vector<16xf32>
        %broadcast_in_dim3A_403 = vector.broadcast %add3A_380 : f32 to vector<16xf32>
        %select_n3A_404 = arith.select %lt3A_401, %broadcast_in_dim3A_403, %select_n3A_369 : vector<16xi1>, vector<16xf32>
        %slice3A_405 = vector.extract_strided_slice %get3A_149 {offsets = [7], sizes = [1], strides = [1]} : vector<16xf32> to vector<1xf32>
        %broadcast_in_dim3A_406 = vector.shape_cast %slice3A_405 : vector<1xf32> to vector<1xf32>
        %broadcast_in_dim3A_407 = vector.broadcast %broadcast_in_dim3A_406 : vector<1xf32> to vector<16xf32>
        %slice3A_408 = vector.extract_strided_slice %get3A_154 {offsets = [7], sizes = [1], strides = [1]} : vector<16xf32> to vector<1xf32>
        %broadcast_in_dim3A_409 = vector.shape_cast %slice3A_408 : vector<1xf32> to vector<1xf32>
        %broadcast_in_dim3A_410 = vector.broadcast %broadcast_in_dim3A_409 : vector<1xf32> to vector<16xf32>
        %slice3A_411 = vector.extract_strided_slice %get3A_159 {offsets = [7], sizes = [1], strides = [1]} : vector<16xf32> to vector<1xf32>
        %broadcast_in_dim3A_412 = vector.shape_cast %slice3A_411 : vector<1xf32> to vector<1xf32>
        %broadcast_in_dim3A_413 = vector.broadcast %broadcast_in_dim3A_412 : vector<1xf32> to vector<16xf32>
        %add3A_414 = arith.constant 7.000000e+00 : f32
        %add3A_415 = arith.addf %convert_element_type3A_162, %add3A_414 : f32
        %sub3A_416 = arith.subf %get3A_41, %broadcast_in_dim3A_407 : vector<16xf32>
        %sub3A_417 = arith.subf %get3A_59, %broadcast_in_dim3A_410 : vector<16xf32>
        %sub3A_418 = arith.subf %get3A_77, %broadcast_in_dim3A_413 : vector<16xf32>
        %mul3A_419 = arith.mulf %sub3A_416, %sub3A_416 : vector<16xf32>
        %mul3A_420 = arith.mulf %sub3A_417, %sub3A_417 : vector<16xf32>
        %add3A_421 = arith.addf %mul3A_419, %mul3A_420 : vector<16xf32>
        %mul3A_422 = arith.mulf %sub3A_418, %sub3A_418 : vector<16xf32>
        %add3A_423 = arith.addf %add3A_421, %mul3A_422 : vector<16xf32>
        %lt3A_424 = arith.cmpf olt, %add3A_423, %min3A_390 : vector<16xf32>
        %min3A_425 = arith.minimumf %min3A_390, %add3A_423 : vector<16xf32>
        %broadcast_in_dim3A_426 = vector.broadcast %add3A_415 : f32 to vector<16xf32>
        %select_n3A_427 = arith.select %lt3A_424, %broadcast_in_dim3A_426, %select_n3A_392 : vector<16xi1>, vector<16xf32>
        %sub3A_428 = arith.subf %get3A_50, %broadcast_in_dim3A_407 : vector<16xf32>
        %sub3A_429 = arith.subf %get3A_68, %broadcast_in_dim3A_410 : vector<16xf32>
        %sub3A_430 = arith.subf %get3A_86, %broadcast_in_dim3A_413 : vector<16xf32>
        %mul3A_431 = arith.mulf %sub3A_428, %sub3A_428 : vector<16xf32>
        %mul3A_432 = arith.mulf %sub3A_429, %sub3A_429 : vector<16xf32>
        %add3A_433 = arith.addf %mul3A_431, %mul3A_432 : vector<16xf32>
        %mul3A_434 = arith.mulf %sub3A_430, %sub3A_430 : vector<16xf32>
        %add3A_435 = arith.addf %add3A_433, %mul3A_434 : vector<16xf32>
        %lt3A_436 = arith.cmpf olt, %add3A_435, %min3A_402 : vector<16xf32>
        %min3A_437 = arith.minimumf %min3A_402, %add3A_435 : vector<16xf32>
        %broadcast_in_dim3A_438 = vector.broadcast %add3A_415 : f32 to vector<16xf32>
        %select_n3A_439 = arith.select %lt3A_436, %broadcast_in_dim3A_438, %select_n3A_404 : vector<16xi1>, vector<16xf32>
        %slice3A_440 = vector.extract_strided_slice %get3A_149 {offsets = [8], sizes = [1], strides = [1]} : vector<16xf32> to vector<1xf32>
        %broadcast_in_dim3A_441 = vector.shape_cast %slice3A_440 : vector<1xf32> to vector<1xf32>
        %broadcast_in_dim3A_442 = vector.broadcast %broadcast_in_dim3A_441 : vector<1xf32> to vector<16xf32>
        %slice3A_443 = vector.extract_strided_slice %get3A_154 {offsets = [8], sizes = [1], strides = [1]} : vector<16xf32> to vector<1xf32>
        %broadcast_in_dim3A_444 = vector.shape_cast %slice3A_443 : vector<1xf32> to vector<1xf32>
        %broadcast_in_dim3A_445 = vector.broadcast %broadcast_in_dim3A_444 : vector<1xf32> to vector<16xf32>
        %slice3A_446 = vector.extract_strided_slice %get3A_159 {offsets = [8], sizes = [1], strides = [1]} : vector<16xf32> to vector<1xf32>
        %broadcast_in_dim3A_447 = vector.shape_cast %slice3A_446 : vector<1xf32> to vector<1xf32>
        %broadcast_in_dim3A_448 = vector.broadcast %broadcast_in_dim3A_447 : vector<1xf32> to vector<16xf32>
        %add3A_449 = arith.constant 8.000000e+00 : f32
        %add3A_450 = arith.addf %convert_element_type3A_162, %add3A_449 : f32
        %sub3A_451 = arith.subf %get3A_41, %broadcast_in_dim3A_442 : vector<16xf32>
        %sub3A_452 = arith.subf %get3A_59, %broadcast_in_dim3A_445 : vector<16xf32>
        %sub3A_453 = arith.subf %get3A_77, %broadcast_in_dim3A_448 : vector<16xf32>
        %mul3A_454 = arith.mulf %sub3A_451, %sub3A_451 : vector<16xf32>
        %mul3A_455 = arith.mulf %sub3A_452, %sub3A_452 : vector<16xf32>
        %add3A_456 = arith.addf %mul3A_454, %mul3A_455 : vector<16xf32>
        %mul3A_457 = arith.mulf %sub3A_453, %sub3A_453 : vector<16xf32>
        %add3A_458 = arith.addf %add3A_456, %mul3A_457 : vector<16xf32>
        %lt3A_459 = arith.cmpf olt, %add3A_458, %min3A_425 : vector<16xf32>
        %min3A_460 = arith.minimumf %min3A_425, %add3A_458 : vector<16xf32>
        %broadcast_in_dim3A_461 = vector.broadcast %add3A_450 : f32 to vector<16xf32>
        %select_n3A_462 = arith.select %lt3A_459, %broadcast_in_dim3A_461, %select_n3A_427 : vector<16xi1>, vector<16xf32>
        %sub3A_463 = arith.subf %get3A_50, %broadcast_in_dim3A_442 : vector<16xf32>
        %sub3A_464 = arith.subf %get3A_68, %broadcast_in_dim3A_445 : vector<16xf32>
        %sub3A_465 = arith.subf %get3A_86, %broadcast_in_dim3A_448 : vector<16xf32>
        %mul3A_466 = arith.mulf %sub3A_463, %sub3A_463 : vector<16xf32>
        %mul3A_467 = arith.mulf %sub3A_464, %sub3A_464 : vector<16xf32>
        %add3A_468 = arith.addf %mul3A_466, %mul3A_467 : vector<16xf32>
        %mul3A_469 = arith.mulf %sub3A_465, %sub3A_465 : vector<16xf32>
        %add3A_470 = arith.addf %add3A_468, %mul3A_469 : vector<16xf32>
        %lt3A_471 = arith.cmpf olt, %add3A_470, %min3A_437 : vector<16xf32>
        %min3A_472 = arith.minimumf %min3A_437, %add3A_470 : vector<16xf32>
        %broadcast_in_dim3A_473 = vector.broadcast %add3A_450 : f32 to vector<16xf32>
        %select_n3A_474 = arith.select %lt3A_471, %broadcast_in_dim3A_473, %select_n3A_439 : vector<16xi1>, vector<16xf32>
        %slice3A_475 = vector.extract_strided_slice %get3A_149 {offsets = [9], sizes = [1], strides = [1]} : vector<16xf32> to vector<1xf32>
        %broadcast_in_dim3A_476 = vector.shape_cast %slice3A_475 : vector<1xf32> to vector<1xf32>
        %broadcast_in_dim3A_477 = vector.broadcast %broadcast_in_dim3A_476 : vector<1xf32> to vector<16xf32>
        %slice3A_478 = vector.extract_strided_slice %get3A_154 {offsets = [9], sizes = [1], strides = [1]} : vector<16xf32> to vector<1xf32>
        %broadcast_in_dim3A_479 = vector.shape_cast %slice3A_478 : vector<1xf32> to vector<1xf32>
        %broadcast_in_dim3A_480 = vector.broadcast %broadcast_in_dim3A_479 : vector<1xf32> to vector<16xf32>
        %slice3A_481 = vector.extract_strided_slice %get3A_159 {offsets = [9], sizes = [1], strides = [1]} : vector<16xf32> to vector<1xf32>
        %broadcast_in_dim3A_482 = vector.shape_cast %slice3A_481 : vector<1xf32> to vector<1xf32>
        %broadcast_in_dim3A_483 = vector.broadcast %broadcast_in_dim3A_482 : vector<1xf32> to vector<16xf32>
        %add3A_484 = arith.constant 9.000000e+00 : f32
        %add3A_485 = arith.addf %convert_element_type3A_162, %add3A_484 : f32
        %sub3A_486 = arith.subf %get3A_41, %broadcast_in_dim3A_477 : vector<16xf32>
        %sub3A_487 = arith.subf %get3A_59, %broadcast_in_dim3A_480 : vector<16xf32>
        %sub3A_488 = arith.subf %get3A_77, %broadcast_in_dim3A_483 : vector<16xf32>
        %mul3A_489 = arith.mulf %sub3A_486, %sub3A_486 : vector<16xf32>
        %mul3A_490 = arith.mulf %sub3A_487, %sub3A_487 : vector<16xf32>
        %add3A_491 = arith.addf %mul3A_489, %mul3A_490 : vector<16xf32>
        %mul3A_492 = arith.mulf %sub3A_488, %sub3A_488 : vector<16xf32>
        %add3A_493 = arith.addf %add3A_491, %mul3A_492 : vector<16xf32>
        %lt3A_494 = arith.cmpf olt, %add3A_493, %min3A_460 : vector<16xf32>
        %min3A_495 = arith.minimumf %min3A_460, %add3A_493 : vector<16xf32>
        %broadcast_in_dim3A_496 = vector.broadcast %add3A_485 : f32 to vector<16xf32>
        %select_n3A_497 = arith.select %lt3A_494, %broadcast_in_dim3A_496, %select_n3A_462 : vector<16xi1>, vector<16xf32>
        %sub3A_498 = arith.subf %get3A_50, %broadcast_in_dim3A_477 : vector<16xf32>
        %sub3A_499 = arith.subf %get3A_68, %broadcast_in_dim3A_480 : vector<16xf32>
        %sub3A_500 = arith.subf %get3A_86, %broadcast_in_dim3A_483 : vector<16xf32>
        %mul3A_501 = arith.mulf %sub3A_498, %sub3A_498 : vector<16xf32>
        %mul3A_502 = arith.mulf %sub3A_499, %sub3A_499 : vector<16xf32>
        %add3A_503 = arith.addf %mul3A_501, %mul3A_502 : vector<16xf32>
        %mul3A_504 = arith.mulf %sub3A_500, %sub3A_500 : vector<16xf32>
        %add3A_505 = arith.addf %add3A_503, %mul3A_504 : vector<16xf32>
        %lt3A_506 = arith.cmpf olt, %add3A_505, %min3A_472 : vector<16xf32>
        %min3A_507 = arith.minimumf %min3A_472, %add3A_505 : vector<16xf32>
        %broadcast_in_dim3A_508 = vector.broadcast %add3A_485 : f32 to vector<16xf32>
        %select_n3A_509 = arith.select %lt3A_506, %broadcast_in_dim3A_508, %select_n3A_474 : vector<16xi1>, vector<16xf32>
        %slice3A_510 = vector.extract_strided_slice %get3A_149 {offsets = [10], sizes = [1], strides = [1]} : vector<16xf32> to vector<1xf32>
        %broadcast_in_dim3A_511 = vector.shape_cast %slice3A_510 : vector<1xf32> to vector<1xf32>
        %broadcast_in_dim3A_512 = vector.broadcast %broadcast_in_dim3A_511 : vector<1xf32> to vector<16xf32>
        %slice3A_513 = vector.extract_strided_slice %get3A_154 {offsets = [10], sizes = [1], strides = [1]} : vector<16xf32> to vector<1xf32>
        %broadcast_in_dim3A_514 = vector.shape_cast %slice3A_513 : vector<1xf32> to vector<1xf32>
        %broadcast_in_dim3A_515 = vector.broadcast %broadcast_in_dim3A_514 : vector<1xf32> to vector<16xf32>
        %slice3A_516 = vector.extract_strided_slice %get3A_159 {offsets = [10], sizes = [1], strides = [1]} : vector<16xf32> to vector<1xf32>
        %broadcast_in_dim3A_517 = vector.shape_cast %slice3A_516 : vector<1xf32> to vector<1xf32>
        %broadcast_in_dim3A_518 = vector.broadcast %broadcast_in_dim3A_517 : vector<1xf32> to vector<16xf32>
        %add3A_519 = arith.constant 1.000000e+01 : f32
        %add3A_520 = arith.addf %convert_element_type3A_162, %add3A_519 : f32
        %sub3A_521 = arith.subf %get3A_41, %broadcast_in_dim3A_512 : vector<16xf32>
        %sub3A_522 = arith.subf %get3A_59, %broadcast_in_dim3A_515 : vector<16xf32>
        %sub3A_523 = arith.subf %get3A_77, %broadcast_in_dim3A_518 : vector<16xf32>
        %mul3A_524 = arith.mulf %sub3A_521, %sub3A_521 : vector<16xf32>
        %mul3A_525 = arith.mulf %sub3A_522, %sub3A_522 : vector<16xf32>
        %add3A_526 = arith.addf %mul3A_524, %mul3A_525 : vector<16xf32>
        %mul3A_527 = arith.mulf %sub3A_523, %sub3A_523 : vector<16xf32>
        %add3A_528 = arith.addf %add3A_526, %mul3A_527 : vector<16xf32>
        %lt3A_529 = arith.cmpf olt, %add3A_528, %min3A_495 : vector<16xf32>
        %min3A_530 = arith.minimumf %min3A_495, %add3A_528 : vector<16xf32>
        %broadcast_in_dim3A_531 = vector.broadcast %add3A_520 : f32 to vector<16xf32>
        %select_n3A_532 = arith.select %lt3A_529, %broadcast_in_dim3A_531, %select_n3A_497 : vector<16xi1>, vector<16xf32>
        %sub3A_533 = arith.subf %get3A_50, %broadcast_in_dim3A_512 : vector<16xf32>
        %sub3A_534 = arith.subf %get3A_68, %broadcast_in_dim3A_515 : vector<16xf32>
        %sub3A_535 = arith.subf %get3A_86, %broadcast_in_dim3A_518 : vector<16xf32>
        %mul3A_536 = arith.mulf %sub3A_533, %sub3A_533 : vector<16xf32>
        %mul3A_537 = arith.mulf %sub3A_534, %sub3A_534 : vector<16xf32>
        %add3A_538 = arith.addf %mul3A_536, %mul3A_537 : vector<16xf32>
        %mul3A_539 = arith.mulf %sub3A_535, %sub3A_535 : vector<16xf32>
        %add3A_540 = arith.addf %add3A_538, %mul3A_539 : vector<16xf32>
        %lt3A_541 = arith.cmpf olt, %add3A_540, %min3A_507 : vector<16xf32>
        %min3A_542 = arith.minimumf %min3A_507, %add3A_540 : vector<16xf32>
        %broadcast_in_dim3A_543 = vector.broadcast %add3A_520 : f32 to vector<16xf32>
        %select_n3A_544 = arith.select %lt3A_541, %broadcast_in_dim3A_543, %select_n3A_509 : vector<16xi1>, vector<16xf32>
        %slice3A_545 = vector.extract_strided_slice %get3A_149 {offsets = [11], sizes = [1], strides = [1]} : vector<16xf32> to vector<1xf32>
        %broadcast_in_dim3A_546 = vector.shape_cast %slice3A_545 : vector<1xf32> to vector<1xf32>
        %broadcast_in_dim3A_547 = vector.broadcast %broadcast_in_dim3A_546 : vector<1xf32> to vector<16xf32>
        %slice3A_548 = vector.extract_strided_slice %get3A_154 {offsets = [11], sizes = [1], strides = [1]} : vector<16xf32> to vector<1xf32>
        %broadcast_in_dim3A_549 = vector.shape_cast %slice3A_548 : vector<1xf32> to vector<1xf32>
        %broadcast_in_dim3A_550 = vector.broadcast %broadcast_in_dim3A_549 : vector<1xf32> to vector<16xf32>
        %slice3A_551 = vector.extract_strided_slice %get3A_159 {offsets = [11], sizes = [1], strides = [1]} : vector<16xf32> to vector<1xf32>
        %broadcast_in_dim3A_552 = vector.shape_cast %slice3A_551 : vector<1xf32> to vector<1xf32>
        %broadcast_in_dim3A_553 = vector.broadcast %broadcast_in_dim3A_552 : vector<1xf32> to vector<16xf32>
        %add3A_554 = arith.constant 1.100000e+01 : f32
        %add3A_555 = arith.addf %convert_element_type3A_162, %add3A_554 : f32
        %sub3A_556 = arith.subf %get3A_41, %broadcast_in_dim3A_547 : vector<16xf32>
        %sub3A_557 = arith.subf %get3A_59, %broadcast_in_dim3A_550 : vector<16xf32>
        %sub3A_558 = arith.subf %get3A_77, %broadcast_in_dim3A_553 : vector<16xf32>
        %mul3A_559 = arith.mulf %sub3A_556, %sub3A_556 : vector<16xf32>
        %mul3A_560 = arith.mulf %sub3A_557, %sub3A_557 : vector<16xf32>
        %add3A_561 = arith.addf %mul3A_559, %mul3A_560 : vector<16xf32>
        %mul3A_562 = arith.mulf %sub3A_558, %sub3A_558 : vector<16xf32>
        %add3A_563 = arith.addf %add3A_561, %mul3A_562 : vector<16xf32>
        %lt3A_564 = arith.cmpf olt, %add3A_563, %min3A_530 : vector<16xf32>
        %min3A_565 = arith.minimumf %min3A_530, %add3A_563 : vector<16xf32>
        %broadcast_in_dim3A_566 = vector.broadcast %add3A_555 : f32 to vector<16xf32>
        %select_n3A_567 = arith.select %lt3A_564, %broadcast_in_dim3A_566, %select_n3A_532 : vector<16xi1>, vector<16xf32>
        %sub3A_568 = arith.subf %get3A_50, %broadcast_in_dim3A_547 : vector<16xf32>
        %sub3A_569 = arith.subf %get3A_68, %broadcast_in_dim3A_550 : vector<16xf32>
        %sub3A_570 = arith.subf %get3A_86, %broadcast_in_dim3A_553 : vector<16xf32>
        %mul3A_571 = arith.mulf %sub3A_568, %sub3A_568 : vector<16xf32>
        %mul3A_572 = arith.mulf %sub3A_569, %sub3A_569 : vector<16xf32>
        %add3A_573 = arith.addf %mul3A_571, %mul3A_572 : vector<16xf32>
        %mul3A_574 = arith.mulf %sub3A_570, %sub3A_570 : vector<16xf32>
        %add3A_575 = arith.addf %add3A_573, %mul3A_574 : vector<16xf32>
        %lt3A_576 = arith.cmpf olt, %add3A_575, %min3A_542 : vector<16xf32>
        %min3A_577 = arith.minimumf %min3A_542, %add3A_575 : vector<16xf32>
        %broadcast_in_dim3A_578 = vector.broadcast %add3A_555 : f32 to vector<16xf32>
        %select_n3A_579 = arith.select %lt3A_576, %broadcast_in_dim3A_578, %select_n3A_544 : vector<16xi1>, vector<16xf32>
        %slice3A_580 = vector.extract_strided_slice %get3A_149 {offsets = [12], sizes = [1], strides = [1]} : vector<16xf32> to vector<1xf32>
        %broadcast_in_dim3A_581 = vector.shape_cast %slice3A_580 : vector<1xf32> to vector<1xf32>
        %broadcast_in_dim3A_582 = vector.broadcast %broadcast_in_dim3A_581 : vector<1xf32> to vector<16xf32>
        %slice3A_583 = vector.extract_strided_slice %get3A_154 {offsets = [12], sizes = [1], strides = [1]} : vector<16xf32> to vector<1xf32>
        %broadcast_in_dim3A_584 = vector.shape_cast %slice3A_583 : vector<1xf32> to vector<1xf32>
        %broadcast_in_dim3A_585 = vector.broadcast %broadcast_in_dim3A_584 : vector<1xf32> to vector<16xf32>
        %slice3A_586 = vector.extract_strided_slice %get3A_159 {offsets = [12], sizes = [1], strides = [1]} : vector<16xf32> to vector<1xf32>
        %broadcast_in_dim3A_587 = vector.shape_cast %slice3A_586 : vector<1xf32> to vector<1xf32>
        %broadcast_in_dim3A_588 = vector.broadcast %broadcast_in_dim3A_587 : vector<1xf32> to vector<16xf32>
        %add3A_589 = arith.constant 1.200000e+01 : f32
        %add3A_590 = arith.addf %convert_element_type3A_162, %add3A_589 : f32
        %sub3A_591 = arith.subf %get3A_41, %broadcast_in_dim3A_582 : vector<16xf32>
        %sub3A_592 = arith.subf %get3A_59, %broadcast_in_dim3A_585 : vector<16xf32>
        %sub3A_593 = arith.subf %get3A_77, %broadcast_in_dim3A_588 : vector<16xf32>
        %mul3A_594 = arith.mulf %sub3A_591, %sub3A_591 : vector<16xf32>
        %mul3A_595 = arith.mulf %sub3A_592, %sub3A_592 : vector<16xf32>
        %add3A_596 = arith.addf %mul3A_594, %mul3A_595 : vector<16xf32>
        %mul3A_597 = arith.mulf %sub3A_593, %sub3A_593 : vector<16xf32>
        %add3A_598 = arith.addf %add3A_596, %mul3A_597 : vector<16xf32>
        %lt3A_599 = arith.cmpf olt, %add3A_598, %min3A_565 : vector<16xf32>
        %min3A_600 = arith.minimumf %min3A_565, %add3A_598 : vector<16xf32>
        %broadcast_in_dim3A_601 = vector.broadcast %add3A_590 : f32 to vector<16xf32>
        %select_n3A_602 = arith.select %lt3A_599, %broadcast_in_dim3A_601, %select_n3A_567 : vector<16xi1>, vector<16xf32>
        %sub3A_603 = arith.subf %get3A_50, %broadcast_in_dim3A_582 : vector<16xf32>
        %sub3A_604 = arith.subf %get3A_68, %broadcast_in_dim3A_585 : vector<16xf32>
        %sub3A_605 = arith.subf %get3A_86, %broadcast_in_dim3A_588 : vector<16xf32>
        %mul3A_606 = arith.mulf %sub3A_603, %sub3A_603 : vector<16xf32>
        %mul3A_607 = arith.mulf %sub3A_604, %sub3A_604 : vector<16xf32>
        %add3A_608 = arith.addf %mul3A_606, %mul3A_607 : vector<16xf32>
        %mul3A_609 = arith.mulf %sub3A_605, %sub3A_605 : vector<16xf32>
        %add3A_610 = arith.addf %add3A_608, %mul3A_609 : vector<16xf32>
        %lt3A_611 = arith.cmpf olt, %add3A_610, %min3A_577 : vector<16xf32>
        %min3A_612 = arith.minimumf %min3A_577, %add3A_610 : vector<16xf32>
        %broadcast_in_dim3A_613 = vector.broadcast %add3A_590 : f32 to vector<16xf32>
        %select_n3A_614 = arith.select %lt3A_611, %broadcast_in_dim3A_613, %select_n3A_579 : vector<16xi1>, vector<16xf32>
        %slice3A_615 = vector.extract_strided_slice %get3A_149 {offsets = [13], sizes = [1], strides = [1]} : vector<16xf32> to vector<1xf32>
        %broadcast_in_dim3A_616 = vector.shape_cast %slice3A_615 : vector<1xf32> to vector<1xf32>
        %broadcast_in_dim3A_617 = vector.broadcast %broadcast_in_dim3A_616 : vector<1xf32> to vector<16xf32>
        %slice3A_618 = vector.extract_strided_slice %get3A_154 {offsets = [13], sizes = [1], strides = [1]} : vector<16xf32> to vector<1xf32>
        %broadcast_in_dim3A_619 = vector.shape_cast %slice3A_618 : vector<1xf32> to vector<1xf32>
        %broadcast_in_dim3A_620 = vector.broadcast %broadcast_in_dim3A_619 : vector<1xf32> to vector<16xf32>
        %slice3A_621 = vector.extract_strided_slice %get3A_159 {offsets = [13], sizes = [1], strides = [1]} : vector<16xf32> to vector<1xf32>
        %broadcast_in_dim3A_622 = vector.shape_cast %slice3A_621 : vector<1xf32> to vector<1xf32>
        %broadcast_in_dim3A_623 = vector.broadcast %broadcast_in_dim3A_622 : vector<1xf32> to vector<16xf32>
        %add3A_624 = arith.constant 1.300000e+01 : f32
        %add3A_625 = arith.addf %convert_element_type3A_162, %add3A_624 : f32
        %sub3A_626 = arith.subf %get3A_41, %broadcast_in_dim3A_617 : vector<16xf32>
        %sub3A_627 = arith.subf %get3A_59, %broadcast_in_dim3A_620 : vector<16xf32>
        %sub3A_628 = arith.subf %get3A_77, %broadcast_in_dim3A_623 : vector<16xf32>
        %mul3A_629 = arith.mulf %sub3A_626, %sub3A_626 : vector<16xf32>
        %mul3A_630 = arith.mulf %sub3A_627, %sub3A_627 : vector<16xf32>
        %add3A_631 = arith.addf %mul3A_629, %mul3A_630 : vector<16xf32>
        %mul3A_632 = arith.mulf %sub3A_628, %sub3A_628 : vector<16xf32>
        %add3A_633 = arith.addf %add3A_631, %mul3A_632 : vector<16xf32>
        %lt3A_634 = arith.cmpf olt, %add3A_633, %min3A_600 : vector<16xf32>
        %min3A_635 = arith.minimumf %min3A_600, %add3A_633 : vector<16xf32>
        %broadcast_in_dim3A_636 = vector.broadcast %add3A_625 : f32 to vector<16xf32>
        %select_n3A_637 = arith.select %lt3A_634, %broadcast_in_dim3A_636, %select_n3A_602 : vector<16xi1>, vector<16xf32>
        %sub3A_638 = arith.subf %get3A_50, %broadcast_in_dim3A_617 : vector<16xf32>
        %sub3A_639 = arith.subf %get3A_68, %broadcast_in_dim3A_620 : vector<16xf32>
        %sub3A_640 = arith.subf %get3A_86, %broadcast_in_dim3A_623 : vector<16xf32>
        %mul3A_641 = arith.mulf %sub3A_638, %sub3A_638 : vector<16xf32>
        %mul3A_642 = arith.mulf %sub3A_639, %sub3A_639 : vector<16xf32>
        %add3A_643 = arith.addf %mul3A_641, %mul3A_642 : vector<16xf32>
        %mul3A_644 = arith.mulf %sub3A_640, %sub3A_640 : vector<16xf32>
        %add3A_645 = arith.addf %add3A_643, %mul3A_644 : vector<16xf32>
        %lt3A_646 = arith.cmpf olt, %add3A_645, %min3A_612 : vector<16xf32>
        %min3A_647 = arith.minimumf %min3A_612, %add3A_645 : vector<16xf32>
        %broadcast_in_dim3A_648 = vector.broadcast %add3A_625 : f32 to vector<16xf32>
        %select_n3A_649 = arith.select %lt3A_646, %broadcast_in_dim3A_648, %select_n3A_614 : vector<16xi1>, vector<16xf32>
        %slice3A_650 = vector.extract_strided_slice %get3A_149 {offsets = [14], sizes = [1], strides = [1]} : vector<16xf32> to vector<1xf32>
        %broadcast_in_dim3A_651 = vector.shape_cast %slice3A_650 : vector<1xf32> to vector<1xf32>
        %broadcast_in_dim3A_652 = vector.broadcast %broadcast_in_dim3A_651 : vector<1xf32> to vector<16xf32>
        %slice3A_653 = vector.extract_strided_slice %get3A_154 {offsets = [14], sizes = [1], strides = [1]} : vector<16xf32> to vector<1xf32>
        %broadcast_in_dim3A_654 = vector.shape_cast %slice3A_653 : vector<1xf32> to vector<1xf32>
        %broadcast_in_dim3A_655 = vector.broadcast %broadcast_in_dim3A_654 : vector<1xf32> to vector<16xf32>
        %slice3A_656 = vector.extract_strided_slice %get3A_159 {offsets = [14], sizes = [1], strides = [1]} : vector<16xf32> to vector<1xf32>
        %broadcast_in_dim3A_657 = vector.shape_cast %slice3A_656 : vector<1xf32> to vector<1xf32>
        %broadcast_in_dim3A_658 = vector.broadcast %broadcast_in_dim3A_657 : vector<1xf32> to vector<16xf32>
        %add3A_659 = arith.constant 1.400000e+01 : f32
        %add3A_660 = arith.addf %convert_element_type3A_162, %add3A_659 : f32
        %sub3A_661 = arith.subf %get3A_41, %broadcast_in_dim3A_652 : vector<16xf32>
        %sub3A_662 = arith.subf %get3A_59, %broadcast_in_dim3A_655 : vector<16xf32>
        %sub3A_663 = arith.subf %get3A_77, %broadcast_in_dim3A_658 : vector<16xf32>
        %mul3A_664 = arith.mulf %sub3A_661, %sub3A_661 : vector<16xf32>
        %mul3A_665 = arith.mulf %sub3A_662, %sub3A_662 : vector<16xf32>
        %add3A_666 = arith.addf %mul3A_664, %mul3A_665 : vector<16xf32>
        %mul3A_667 = arith.mulf %sub3A_663, %sub3A_663 : vector<16xf32>
        %add3A_668 = arith.addf %add3A_666, %mul3A_667 : vector<16xf32>
        %lt3A_669 = arith.cmpf olt, %add3A_668, %min3A_635 : vector<16xf32>
        %min3A_670 = arith.minimumf %min3A_635, %add3A_668 : vector<16xf32>
        %broadcast_in_dim3A_671 = vector.broadcast %add3A_660 : f32 to vector<16xf32>
        %select_n3A_672 = arith.select %lt3A_669, %broadcast_in_dim3A_671, %select_n3A_637 : vector<16xi1>, vector<16xf32>
        %sub3A_673 = arith.subf %get3A_50, %broadcast_in_dim3A_652 : vector<16xf32>
        %sub3A_674 = arith.subf %get3A_68, %broadcast_in_dim3A_655 : vector<16xf32>
        %sub3A_675 = arith.subf %get3A_86, %broadcast_in_dim3A_658 : vector<16xf32>
        %mul3A_676 = arith.mulf %sub3A_673, %sub3A_673 : vector<16xf32>
        %mul3A_677 = arith.mulf %sub3A_674, %sub3A_674 : vector<16xf32>
        %add3A_678 = arith.addf %mul3A_676, %mul3A_677 : vector<16xf32>
        %mul3A_679 = arith.mulf %sub3A_675, %sub3A_675 : vector<16xf32>
        %add3A_680 = arith.addf %add3A_678, %mul3A_679 : vector<16xf32>
        %lt3A_681 = arith.cmpf olt, %add3A_680, %min3A_647 : vector<16xf32>
        %min3A_682 = arith.minimumf %min3A_647, %add3A_680 : vector<16xf32>
        %broadcast_in_dim3A_683 = vector.broadcast %add3A_660 : f32 to vector<16xf32>
        %select_n3A_684 = arith.select %lt3A_681, %broadcast_in_dim3A_683, %select_n3A_649 : vector<16xi1>, vector<16xf32>
        %slice3A_685 = vector.extract_strided_slice %get3A_149 {offsets = [15], sizes = [1], strides = [1]} : vector<16xf32> to vector<1xf32>
        %broadcast_in_dim3A_686 = vector.shape_cast %slice3A_685 : vector<1xf32> to vector<1xf32>
        %broadcast_in_dim3A_687 = vector.broadcast %broadcast_in_dim3A_686 : vector<1xf32> to vector<16xf32>
        %slice3A_688 = vector.extract_strided_slice %get3A_154 {offsets = [15], sizes = [1], strides = [1]} : vector<16xf32> to vector<1xf32>
        %broadcast_in_dim3A_689 = vector.shape_cast %slice3A_688 : vector<1xf32> to vector<1xf32>
        %broadcast_in_dim3A_690 = vector.broadcast %broadcast_in_dim3A_689 : vector<1xf32> to vector<16xf32>
        %slice3A_691 = vector.extract_strided_slice %get3A_159 {offsets = [15], sizes = [1], strides = [1]} : vector<16xf32> to vector<1xf32>
        %broadcast_in_dim3A_692 = vector.shape_cast %slice3A_691 : vector<1xf32> to vector<1xf32>
        %broadcast_in_dim3A_693 = vector.broadcast %broadcast_in_dim3A_692 : vector<1xf32> to vector<16xf32>
        %add3A_694 = arith.constant 1.500000e+01 : f32
        %add3A_695 = arith.addf %convert_element_type3A_162, %add3A_694 : f32
        %sub3A_696 = arith.subf %get3A_41, %broadcast_in_dim3A_687 : vector<16xf32>
        %sub3A_697 = arith.subf %get3A_59, %broadcast_in_dim3A_690 : vector<16xf32>
        %sub3A_698 = arith.subf %get3A_77, %broadcast_in_dim3A_693 : vector<16xf32>
        %mul3A_699 = arith.mulf %sub3A_696, %sub3A_696 : vector<16xf32>
        %mul3A_700 = arith.mulf %sub3A_697, %sub3A_697 : vector<16xf32>
        %add3A_701 = arith.addf %mul3A_699, %mul3A_700 : vector<16xf32>
        %mul3A_702 = arith.mulf %sub3A_698, %sub3A_698 : vector<16xf32>
        %add3A_703 = arith.addf %add3A_701, %mul3A_702 : vector<16xf32>
        %lt3A_704 = arith.cmpf olt, %add3A_703, %min3A_670 : vector<16xf32>
        %min3A_705 = arith.minimumf %min3A_670, %add3A_703 : vector<16xf32>
        %broadcast_in_dim3A_706 = vector.broadcast %add3A_695 : f32 to vector<16xf32>
        %select_n3A_707 = arith.select %lt3A_704, %broadcast_in_dim3A_706, %select_n3A_672 : vector<16xi1>, vector<16xf32>
        %sub3A_708 = arith.subf %get3A_50, %broadcast_in_dim3A_687 : vector<16xf32>
        %sub3A_709 = arith.subf %get3A_68, %broadcast_in_dim3A_690 : vector<16xf32>
        %sub3A_710 = arith.subf %get3A_86, %broadcast_in_dim3A_693 : vector<16xf32>
        %mul3A_711 = arith.mulf %sub3A_708, %sub3A_708 : vector<16xf32>
        %mul3A_712 = arith.mulf %sub3A_709, %sub3A_709 : vector<16xf32>
        %add3A_713 = arith.addf %mul3A_711, %mul3A_712 : vector<16xf32>
        %mul3A_714 = arith.mulf %sub3A_710, %sub3A_710 : vector<16xf32>
        %add3A_715 = arith.addf %add3A_713, %mul3A_714 : vector<16xf32>
        %lt3A_716 = arith.cmpf olt, %add3A_715, %min3A_682 : vector<16xf32>
        %min3A_717 = arith.minimumf %min3A_682, %add3A_715 : vector<16xf32>
        %broadcast_in_dim3A_718 = vector.broadcast %add3A_695 : f32 to vector<16xf32>
        %select_n3A_719 = arith.select %lt3A_716, %broadcast_in_dim3A_718, %select_n3A_684 : vector<16xi1>, vector<16xf32>
        scf.yield %min3A_705, %min3A_717, %select_n3A_707, %select_n3A_719 : vector<16xf32>, vector<16xf32>, vector<16xf32>, vector<16xf32>
      }
      %scan3A_96 = arith.constant 512 : i32
      %mul3A_97 = arith.constant 16 : i32
      %mul3A_98 = arith.muli %scan3A_32, %mul3A_97 : i32
      %mul3A_99 = arith.constant 2 : i32
      %mul3A_100 = arith.muli %mul3A_98, %mul3A_99 : i32
      %add3A_101 = arith.constant 0 : i32
      %add3A_102 = arith.addi %mul3A_100, %add3A_101 : i32
      %swap3A_103 = arith.index_cast %add3A_102 : i32 to index
      %swap3A_104 = tpu.vector_load %arg17[%swap3A_103] {strides = array<i32>} : memref<576xf32, #tpu.memory_space<vmem>>, vector<16xf32>,
      %swap3A_105 = vector.shape_cast %swap3A_104 : vector<16xf32> to vector<16xf32>
      %swap3A_106 = vector.shape_cast %scan3A_95#0 : vector<16xf32> to vector<16xf32>
      tpu.vector_store %arg17[%swap3A_103], %swap3A_106 {strides = array<i32>} : memref<576xf32, #tpu.memory_space<vmem>>, vector<16xf32>,
      %convert_element_type3A = arith.fptosi %scan3A_95#2 : vector<16xf32> to vector<16xi32>
      %mul3A_107 = arith.constant 16 : i32
      %mul3A_108 = arith.muli %scan3A_32, %mul3A_107 : i32
      %mul3A_109 = arith.constant 2 : i32
      %mul3A_110 = arith.muli %mul3A_108, %mul3A_109 : i32
      %add3A_111 = arith.constant 0 : i32
      %add3A_112 = arith.addi %mul3A_110, %add3A_111 : i32
      %swap3A_113 = arith.index_cast %add3A_112 : i32 to index
      %swap3A_114 = tpu.vector_load %arg18[%swap3A_113] {strides = array<i32>} : memref<576xi32, #tpu.memory_space<vmem>>, vector<16xi32>,
      %swap3A_115 = vector.shape_cast %swap3A_114 : vector<16xi32> to vector<16xi32>
      %swap3A_116 = vector.shape_cast %convert_element_type3A : vector<16xi32> to vector<16xi32>
      tpu.vector_store %arg18[%swap3A_113], %swap3A_116 {strides = array<i32>} : memref<576xi32, #tpu.memory_space<vmem>>, vector<16xi32>,
      %add3A_117 = arith.addf %scan3A_33, %scan3A_95#0 : vector<16xf32>
      %mul3A_118 = arith.constant 16 : i32
      %mul3A_119 = arith.muli %scan3A_32, %mul3A_118 : i32
      %mul3A_120 = arith.constant 2 : i32
      %mul3A_121 = arith.muli %mul3A_119, %mul3A_120 : i32
      %add3A_122 = arith.constant 16 : i32
      %add3A_123 = arith.addi %mul3A_121, %add3A_122 : i32
      %swap3A_124 = arith.index_cast %add3A_123 : i32 to index
      %swap3A_125 = tpu.vector_load %arg17[%swap3A_124] {strides = array<i32>} : memref<576xf32, #tpu.memory_space<vmem>>, vector<16xf32>,
      %swap3A_126 = vector.shape_cast %swap3A_125 : vector<16xf32> to vector<16xf32>
      %swap3A_127 = vector.shape_cast %scan3A_95#1 : vector<16xf32> to vector<16xf32>
      tpu.vector_store %arg17[%swap3A_124], %swap3A_127 {strides = array<i32>} : memref<576xf32, #tpu.memory_space<vmem>>, vector<16xf32>,
      %convert_element_type3A_128 = arith.fptosi %scan3A_95#3 : vector<16xf32> to vector<16xi32>
      %mul3A_129 = arith.constant 16 : i32
      %mul3A_130 = arith.muli %scan3A_32, %mul3A_129 : i32
      %mul3A_131 = arith.constant 2 : i32
      %mul3A_132 = arith.muli %mul3A_130, %mul3A_131 : i32
      %add3A_133 = arith.constant 16 : i32
      %add3A_134 = arith.addi %mul3A_132, %add3A_133 : i32
      %swap3A_135 = arith.index_cast %add3A_134 : i32 to index
      %swap3A_136 = tpu.vector_load %arg18[%swap3A_135] {strides = array<i32>} : memref<576xi32, #tpu.memory_space<vmem>>, vector<16xi32>,
      %swap3A_137 = vector.shape_cast %swap3A_136 : vector<16xi32> to vector<16xi32>
      %swap3A_138 = vector.shape_cast %convert_element_type3A_128 : vector<16xi32> to vector<16xi32>
      tpu.vector_store %arg18[%swap3A_135], %swap3A_138 {strides = array<i32>} : memref<576xi32, #tpu.memory_space<vmem>>, vector<16xi32>,
      %add3A_139 = arith.addf %add3A_117, %scan3A_95#1 : vector<16xf32>
      scf.yield %add3A_139 : vector<16xf32>
    }
    %scan3A_26 = arith.constant 18 : i32
    %swap3A = arith.constant 0 : index
    %swap3A_27 = tpu.vector_load %arg19[%swap3A] {strides = array<i32>} : memref<16xf32, #tpu.memory_space<vmem>>, vector<16xf32>,
    %swap3A_28 = vector.shape_cast %swap3A_27 : vector<16xf32> to vector<16xf32>
    %swap3A_29 = vector.shape_cast %scan3A_25 : vector<16xf32> to vector<16xf32>
    tpu.vector_store %arg19[%swap3A], %swap3A_29 {strides = array<i32>} : memref<16xf32, #tpu.memory_space<vmem>>, vector<16xf32>,
    "tpu.region"() ({
      %run_scoped3A = tpu.sem_alloc : memref<!tpu.dma_semaphore, #tpu.memory_space<semaphore_mem>>
      %dma_start3A = tpu.memref_slice %arg9[%mul3A_2] : memref<18432xf32, #tpu.memory_space<hbm>> -> memref<576xf32, #tpu.memory_space<hbm>>
      %dma_start3A_32 = tpu.memref_slice %arg9[%mul3A_2] : memref<18432xf32, #tpu.memory_space<hbm>> -> memref<576xf32, #tpu.memory_space<hbm>>
      tpu.enqueue_dma source(%arg17 : memref<576xf32, #tpu.memory_space<vmem>>) target(%dma_start3A_32 : memref<576xf32, #tpu.memory_space<hbm>>) target_semaphore(%run_scoped3A : memref<!tpu.dma_semaphore, #tpu.memory_space<semaphore_mem>>)
      %dma_wait3A = tpu.memref_slice %arg9[%mul3A_2] : memref<18432xf32, #tpu.memory_space<hbm>> -> memref<576xf32, #tpu.memory_space<hbm>>
      %dma_wait3A_33 = tpu.memref_slice %arg9[%mul3A_2] : memref<18432xf32, #tpu.memory_space<hbm>> -> memref<576xf32, #tpu.memory_space<hbm>>
      tpu.wait_dma2 semaphore(%run_scoped3A : memref<!tpu.dma_semaphore, #tpu.memory_space<semaphore_mem>>) src(%arg17 : memref<576xf32, #tpu.memory_space<vmem>>) dst(%dma_wait3A_33 : memref<576xf32, #tpu.memory_space<hbm>>)
      tpu.yield
    }) : () -> ()
    "tpu.region"() ({
      %run_scoped3A = tpu.sem_alloc : memref<!tpu.dma_semaphore, #tpu.memory_space<semaphore_mem>>
      %dma_start3A = tpu.memref_slice %arg8[%mul3A_2] : memref<18432xi32, #tpu.memory_space<hbm>> -> memref<576xi32, #tpu.memory_space<hbm>>
      %dma_start3A_32 = tpu.memref_slice %arg8[%mul3A_2] : memref<18432xi32, #tpu.memory_space<hbm>> -> memref<576xi32, #tpu.memory_space<hbm>>
      tpu.enqueue_dma source(%arg18 : memref<576xi32, #tpu.memory_space<vmem>>) target(%dma_start3A_32 : memref<576xi32, #tpu.memory_space<hbm>>) target_semaphore(%run_scoped3A : memref<!tpu.dma_semaphore, #tpu.memory_space<semaphore_mem>>)
      %dma_wait3A = tpu.memref_slice %arg8[%mul3A_2] : memref<18432xi32, #tpu.memory_space<hbm>> -> memref<576xi32, #tpu.memory_space<hbm>>
      %dma_wait3A_33 = tpu.memref_slice %arg8[%mul3A_2] : memref<18432xi32, #tpu.memory_space<hbm>> -> memref<576xi32, #tpu.memory_space<hbm>>
      tpu.wait_dma2 semaphore(%run_scoped3A : memref<!tpu.dma_semaphore, #tpu.memory_space<semaphore_mem>>) src(%arg18 : memref<576xi32, #tpu.memory_space<vmem>>) dst(%dma_wait3A_33 : memref<576xi32, #tpu.memory_space<hbm>>)
      tpu.yield
    }) : () -> ()
    %mul3A_30 = arith.constant 16 : i32
    %mul3A_31 = arith.muli %add3A, %mul3A_30 : i32
    "tpu.region"() ({
      %run_scoped3A = tpu.sem_alloc : memref<!tpu.dma_semaphore, #tpu.memory_space<semaphore_mem>>
      %dma_start3A = tpu.memref_slice %arg10[%mul3A_31] : memref<512xf32, #tpu.memory_space<hbm>> -> memref<16xf32, #tpu.memory_space<hbm>>
      %dma_start3A_32 = tpu.memref_slice %arg10[%mul3A_31] : memref<512xf32, #tpu.memory_space<hbm>> -> memref<16xf32, #tpu.memory_space<hbm>>
      tpu.enqueue_dma source(%arg19 : memref<16xf32, #tpu.memory_space<vmem>>) target(%dma_start3A_32 : memref<16xf32, #tpu.memory_space<hbm>>) target_semaphore(%run_scoped3A : memref<!tpu.dma_semaphore, #tpu.memory_space<semaphore_mem>>)
      %dma_wait3A = tpu.memref_slice %arg10[%mul3A_31] : memref<512xf32, #tpu.memory_space<hbm>> -> memref<16xf32, #tpu.memory_space<hbm>>
      %dma_wait3A_33 = tpu.memref_slice %arg10[%mul3A_31] : memref<512xf32, #tpu.memory_space<hbm>> -> memref<16xf32, #tpu.memory_space<hbm>>
      tpu.wait_dma2 semaphore(%run_scoped3A : memref<!tpu.dma_semaphore, #tpu.memory_space<semaphore_mem>>) src(%arg19 : memref<16xf32, #tpu.memory_space<vmem>>) dst(%dma_wait3A_33 : memref<16xf32, #tpu.memory_space<hbm>>)
      tpu.yield
    }) : () -> ()
    return
  }
}

module attributes {stable_mosaic.version = 14 : i64} {
  func.func @_tc_body(%arg0: i32, %arg1: i32, %arg2: memref<1x64x3xf32, #tpu.memory_space<vmem>>, %arg3: memref<1x3x8192xf32, #tpu.memory_space<vmem>>, %arg4: memref<1x1x64xf32, #tpu.memory_space<vmem>>, %arg5: memref<1x1x64xi32, #tpu.memory_space<vmem>>, %arg6: memref<1x1x64xf32, #tpu.memory_space<vmem>>) attributes {dimension_semantics = [#tpu.dimension_semantics<arbitrary>, #tpu.dimension_semantics<arbitrary>], iteration_bounds = array<i64: 8, 92>, scalar_prefetch = 0 : i64, scratch_operands = 0 : i64, tpu.core_type = #tpu.core_type<tc>, window_params = [{transform_indices = @transform_0, window_bounds = array<i64: 1, 64, 3>}, {transform_indices = @transform_1, window_bounds = array<i64: 1, 3, 8192>}, {transform_indices = @transform_2, window_bounds = array<i64: 1, 1, 64>}, {transform_indices = @transform_3, window_bounds = array<i64: 1, 1, 64>}, {transform_indices = @transform_4, window_bounds = array<i64: 1, 1, 64>}]} {
    %get3A = arith.constant 0 : index
    %get3A_0 = arith.constant 0 : index
    %get3A_1 = arith.constant 0 : index
    %get3A_2 = vector.load %arg2[%get3A, %get3A_0, %get3A_1] : memref<1x64x3xf32, #tpu.memory_space<vmem>>, vector<1x64x3xf32>
    %get3A_3 = vector.shape_cast %get3A_2 : vector<1x64x3xf32> to vector<64x3xf32>
    %slice3A = vector.extract_strided_slice %get3A_3 {offsets = [0, 0], sizes = [64, 1], strides = [1, 1]} : vector<64x3xf32> to vector<64x1xf32>
    %broadcast_in_dim3A = vector.shape_cast %slice3A : vector<64x1xf32> to vector<64x1xf32>
    %broadcast_in_dim3A_4 = vector.broadcast %broadcast_in_dim3A : vector<64x1xf32> to vector<64x128xf32>
    %slice3A_5 = vector.extract_strided_slice %get3A_3 {offsets = [0, 1], sizes = [64, 1], strides = [1, 1]} : vector<64x3xf32> to vector<64x1xf32>
    %broadcast_in_dim3A_6 = vector.shape_cast %slice3A_5 : vector<64x1xf32> to vector<64x1xf32>
    %broadcast_in_dim3A_7 = vector.broadcast %broadcast_in_dim3A_6 : vector<64x1xf32> to vector<64x128xf32>
    %slice3A_8 = vector.extract_strided_slice %get3A_3 {offsets = [0, 2], sizes = [64, 1], strides = [1, 1]} : vector<64x3xf32> to vector<64x1xf32>
    %broadcast_in_dim3A_9 = vector.shape_cast %slice3A_8 : vector<64x1xf32> to vector<64x1xf32>
    %broadcast_in_dim3A_10 = vector.broadcast %broadcast_in_dim3A_9 : vector<64x1xf32> to vector<64x128xf32>
    %broadcast_in_dim3A_11 = arith.constant 0x7F800000 : f32
    %broadcast_in_dim3A_12 = vector.broadcast %broadcast_in_dim3A_11 : f32 to vector<64x128xf32>
    %broadcast_in_dim3A_13 = arith.constant 0.000000e+00 : f32
    %broadcast_in_dim3A_14 = vector.broadcast %broadcast_in_dim3A_13 : f32 to vector<64x128xf32>
    %scan3A = arith.constant 0 : i32
    %scan3A_15 = arith.constant 64 : i32
    %scan3A_16 = arith.addi %scan3A, %scan3A_15 : i32
    %scan3A_17 = arith.constant 8 : i32
    %scan3A_18:2 = scf.for %scan3A_56 = %scan3A to %scan3A_16 step %scan3A_17 iter_args(%scan3A_57 = %broadcast_in_dim3A_12, %scan3A_58 = %broadcast_in_dim3A_14) -> (vector<64x128xf32>, vector<64x128xf32>)  : i32 {
      %mul3A_59 = arith.constant 128 : i32
      %mul3A_60 = arith.muli %scan3A_56, %mul3A_59 : i32
      %get3A_61 = arith.constant 0 : index
      %get3A_62 = arith.constant 0 : index
      %get3A_63 = arith.index_cast %mul3A_60 : i32 to index
      %get3A_64 = vector.load %arg3[%get3A_61, %get3A_62, %get3A_63] : memref<1x3x8192xf32, #tpu.memory_space<vmem>>, vector<1x3x128xf32>
      %get3A_65 = vector.shape_cast %get3A_64 : vector<1x3x128xf32> to vector<3x128xf32>
      %slice3A_66 = vector.extract_strided_slice %get3A_65 {offsets = [0, 0], sizes = [1, 128], strides = [1, 1]} : vector<3x128xf32> to vector<1x128xf32>
      %broadcast_in_dim3A_67 = vector.shape_cast %slice3A_66 : vector<1x128xf32> to vector<1x128xf32>
      %broadcast_in_dim3A_68 = vector.broadcast %broadcast_in_dim3A_67 : vector<1x128xf32> to vector<64x128xf32>
      %sub3A = arith.subf %broadcast_in_dim3A_4, %broadcast_in_dim3A_68 : vector<64x128xf32>
      %slice3A_69 = vector.extract_strided_slice %get3A_65 {offsets = [1, 0], sizes = [1, 128], strides = [1, 1]} : vector<3x128xf32> to vector<1x128xf32>
      %broadcast_in_dim3A_70 = vector.shape_cast %slice3A_69 : vector<1x128xf32> to vector<1x128xf32>
      %broadcast_in_dim3A_71 = vector.broadcast %broadcast_in_dim3A_70 : vector<1x128xf32> to vector<64x128xf32>
      %sub3A_72 = arith.subf %broadcast_in_dim3A_7, %broadcast_in_dim3A_71 : vector<64x128xf32>
      %slice3A_73 = vector.extract_strided_slice %get3A_65 {offsets = [2, 0], sizes = [1, 128], strides = [1, 1]} : vector<3x128xf32> to vector<1x128xf32>
      %broadcast_in_dim3A_74 = vector.shape_cast %slice3A_73 : vector<1x128xf32> to vector<1x128xf32>
      %broadcast_in_dim3A_75 = vector.broadcast %broadcast_in_dim3A_74 : vector<1x128xf32> to vector<64x128xf32>
      %sub3A_76 = arith.subf %broadcast_in_dim3A_10, %broadcast_in_dim3A_75 : vector<64x128xf32>
      %mul3A_77 = arith.mulf %sub3A, %sub3A : vector<64x128xf32>
      %mul3A_78 = arith.mulf %sub3A_72, %sub3A_72 : vector<64x128xf32>
      %add3A_79 = arith.addf %mul3A_77, %mul3A_78 : vector<64x128xf32>
      %mul3A_80 = arith.mulf %sub3A_76, %sub3A_76 : vector<64x128xf32>
      %add3A_81 = arith.addf %add3A_79, %mul3A_80 : vector<64x128xf32>
      %lt3A = arith.cmpf olt, %add3A_81, %scan3A_57 : vector<64x128xf32>
      %min3A = arith.minimumf %scan3A_57, %add3A_81 : vector<64x128xf32>
      %convert_element_type3A_82 = arith.sitofp %scan3A_56 : i32 to f32
      %broadcast_in_dim3A_83 = vector.broadcast %convert_element_type3A_82 : f32 to vector<64x128xf32>
      %select_n3A_84 = arith.select %lt3A, %broadcast_in_dim3A_83, %scan3A_58 : vector<64x128xi1>, vector<64x128xf32>
      %scan3A_85 = arith.constant 1 : i32
      %scan3A_86 = arith.addi %scan3A_56, %scan3A_85 : i32
      %mul3A_87 = arith.constant 128 : i32
      %mul3A_88 = arith.muli %scan3A_86, %mul3A_87 : i32
      %get3A_89 = arith.constant 0 : index
      %get3A_90 = arith.constant 0 : index
      %get3A_91 = arith.index_cast %mul3A_88 : i32 to index
      %get3A_92 = vector.load %arg3[%get3A_89, %get3A_90, %get3A_91] : memref<1x3x8192xf32, #tpu.memory_space<vmem>>, vector<1x3x128xf32>
      %get3A_93 = vector.shape_cast %get3A_92 : vector<1x3x128xf32> to vector<3x128xf32>
      %slice3A_94 = vector.extract_strided_slice %get3A_93 {offsets = [0, 0], sizes = [1, 128], strides = [1, 1]} : vector<3x128xf32> to vector<1x128xf32>
      %broadcast_in_dim3A_95 = vector.shape_cast %slice3A_94 : vector<1x128xf32> to vector<1x128xf32>
      %broadcast_in_dim3A_96 = vector.broadcast %broadcast_in_dim3A_95 : vector<1x128xf32> to vector<64x128xf32>
      %sub3A_97 = arith.subf %broadcast_in_dim3A_4, %broadcast_in_dim3A_96 : vector<64x128xf32>
      %slice3A_98 = vector.extract_strided_slice %get3A_93 {offsets = [1, 0], sizes = [1, 128], strides = [1, 1]} : vector<3x128xf32> to vector<1x128xf32>
      %broadcast_in_dim3A_99 = vector.shape_cast %slice3A_98 : vector<1x128xf32> to vector<1x128xf32>
      %broadcast_in_dim3A_100 = vector.broadcast %broadcast_in_dim3A_99 : vector<1x128xf32> to vector<64x128xf32>
      %sub3A_101 = arith.subf %broadcast_in_dim3A_7, %broadcast_in_dim3A_100 : vector<64x128xf32>
      %slice3A_102 = vector.extract_strided_slice %get3A_93 {offsets = [2, 0], sizes = [1, 128], strides = [1, 1]} : vector<3x128xf32> to vector<1x128xf32>
      %broadcast_in_dim3A_103 = vector.shape_cast %slice3A_102 : vector<1x128xf32> to vector<1x128xf32>
      %broadcast_in_dim3A_104 = vector.broadcast %broadcast_in_dim3A_103 : vector<1x128xf32> to vector<64x128xf32>
      %sub3A_105 = arith.subf %broadcast_in_dim3A_10, %broadcast_in_dim3A_104 : vector<64x128xf32>
      %mul3A_106 = arith.mulf %sub3A_97, %sub3A_97 : vector<64x128xf32>
      %mul3A_107 = arith.mulf %sub3A_101, %sub3A_101 : vector<64x128xf32>
      %add3A_108 = arith.addf %mul3A_106, %mul3A_107 : vector<64x128xf32>
      %mul3A_109 = arith.mulf %sub3A_105, %sub3A_105 : vector<64x128xf32>
      %add3A_110 = arith.addf %add3A_108, %mul3A_109 : vector<64x128xf32>
      %lt3A_111 = arith.cmpf olt, %add3A_110, %min3A : vector<64x128xf32>
      %min3A_112 = arith.minimumf %min3A, %add3A_110 : vector<64x128xf32>
      %convert_element_type3A_113 = arith.sitofp %scan3A_86 : i32 to f32
      %broadcast_in_dim3A_114 = vector.broadcast %convert_element_type3A_113 : f32 to vector<64x128xf32>
      %select_n3A_115 = arith.select %lt3A_111, %broadcast_in_dim3A_114, %select_n3A_84 : vector<64x128xi1>, vector<64x128xf32>
      %scan3A_116 = arith.constant 2 : i32
      %scan3A_117 = arith.addi %scan3A_56, %scan3A_116 : i32
      %mul3A_118 = arith.constant 128 : i32
      %mul3A_119 = arith.muli %scan3A_117, %mul3A_118 : i32
      %get3A_120 = arith.constant 0 : index
      %get3A_121 = arith.constant 0 : index
      %get3A_122 = arith.index_cast %mul3A_119 : i32 to index
      %get3A_123 = vector.load %arg3[%get3A_120, %get3A_121, %get3A_122] : memref<1x3x8192xf32, #tpu.memory_space<vmem>>, vector<1x3x128xf32>
      %get3A_124 = vector.shape_cast %get3A_123 : vector<1x3x128xf32> to vector<3x128xf32>
      %slice3A_125 = vector.extract_strided_slice %get3A_124 {offsets = [0, 0], sizes = [1, 128], strides = [1, 1]} : vector<3x128xf32> to vector<1x128xf32>
      %broadcast_in_dim3A_126 = vector.shape_cast %slice3A_125 : vector<1x128xf32> to vector<1x128xf32>
      %broadcast_in_dim3A_127 = vector.broadcast %broadcast_in_dim3A_126 : vector<1x128xf32> to vector<64x128xf32>
      %sub3A_128 = arith.subf %broadcast_in_dim3A_4, %broadcast_in_dim3A_127 : vector<64x128xf32>
      %slice3A_129 = vector.extract_strided_slice %get3A_124 {offsets = [1, 0], sizes = [1, 128], strides = [1, 1]} : vector<3x128xf32> to vector<1x128xf32>
      %broadcast_in_dim3A_130 = vector.shape_cast %slice3A_129 : vector<1x128xf32> to vector<1x128xf32>
      %broadcast_in_dim3A_131 = vector.broadcast %broadcast_in_dim3A_130 : vector<1x128xf32> to vector<64x128xf32>
      %sub3A_132 = arith.subf %broadcast_in_dim3A_7, %broadcast_in_dim3A_131 : vector<64x128xf32>
      %slice3A_133 = vector.extract_strided_slice %get3A_124 {offsets = [2, 0], sizes = [1, 128], strides = [1, 1]} : vector<3x128xf32> to vector<1x128xf32>
      %broadcast_in_dim3A_134 = vector.shape_cast %slice3A_133 : vector<1x128xf32> to vector<1x128xf32>
      %broadcast_in_dim3A_135 = vector.broadcast %broadcast_in_dim3A_134 : vector<1x128xf32> to vector<64x128xf32>
      %sub3A_136 = arith.subf %broadcast_in_dim3A_10, %broadcast_in_dim3A_135 : vector<64x128xf32>
      %mul3A_137 = arith.mulf %sub3A_128, %sub3A_128 : vector<64x128xf32>
      %mul3A_138 = arith.mulf %sub3A_132, %sub3A_132 : vector<64x128xf32>
      %add3A_139 = arith.addf %mul3A_137, %mul3A_138 : vector<64x128xf32>
      %mul3A_140 = arith.mulf %sub3A_136, %sub3A_136 : vector<64x128xf32>
      %add3A_141 = arith.addf %add3A_139, %mul3A_140 : vector<64x128xf32>
      %lt3A_142 = arith.cmpf olt, %add3A_141, %min3A_112 : vector<64x128xf32>
      %min3A_143 = arith.minimumf %min3A_112, %add3A_141 : vector<64x128xf32>
      %convert_element_type3A_144 = arith.sitofp %scan3A_117 : i32 to f32
      %broadcast_in_dim3A_145 = vector.broadcast %convert_element_type3A_144 : f32 to vector<64x128xf32>
      %select_n3A_146 = arith.select %lt3A_142, %broadcast_in_dim3A_145, %select_n3A_115 : vector<64x128xi1>, vector<64x128xf32>
      %scan3A_147 = arith.constant 3 : i32
      %scan3A_148 = arith.addi %scan3A_56, %scan3A_147 : i32
      %mul3A_149 = arith.constant 128 : i32
      %mul3A_150 = arith.muli %scan3A_148, %mul3A_149 : i32
      %get3A_151 = arith.constant 0 : index
      %get3A_152 = arith.constant 0 : index
      %get3A_153 = arith.index_cast %mul3A_150 : i32 to index
      %get3A_154 = vector.load %arg3[%get3A_151, %get3A_152, %get3A_153] : memref<1x3x8192xf32, #tpu.memory_space<vmem>>, vector<1x3x128xf32>
      %get3A_155 = vector.shape_cast %get3A_154 : vector<1x3x128xf32> to vector<3x128xf32>
      %slice3A_156 = vector.extract_strided_slice %get3A_155 {offsets = [0, 0], sizes = [1, 128], strides = [1, 1]} : vector<3x128xf32> to vector<1x128xf32>
      %broadcast_in_dim3A_157 = vector.shape_cast %slice3A_156 : vector<1x128xf32> to vector<1x128xf32>
      %broadcast_in_dim3A_158 = vector.broadcast %broadcast_in_dim3A_157 : vector<1x128xf32> to vector<64x128xf32>
      %sub3A_159 = arith.subf %broadcast_in_dim3A_4, %broadcast_in_dim3A_158 : vector<64x128xf32>
      %slice3A_160 = vector.extract_strided_slice %get3A_155 {offsets = [1, 0], sizes = [1, 128], strides = [1, 1]} : vector<3x128xf32> to vector<1x128xf32>
      %broadcast_in_dim3A_161 = vector.shape_cast %slice3A_160 : vector<1x128xf32> to vector<1x128xf32>
      %broadcast_in_dim3A_162 = vector.broadcast %broadcast_in_dim3A_161 : vector<1x128xf32> to vector<64x128xf32>
      %sub3A_163 = arith.subf %broadcast_in_dim3A_7, %broadcast_in_dim3A_162 : vector<64x128xf32>
      %slice3A_164 = vector.extract_strided_slice %get3A_155 {offsets = [2, 0], sizes = [1, 128], strides = [1, 1]} : vector<3x128xf32> to vector<1x128xf32>
      %broadcast_in_dim3A_165 = vector.shape_cast %slice3A_164 : vector<1x128xf32> to vector<1x128xf32>
      %broadcast_in_dim3A_166 = vector.broadcast %broadcast_in_dim3A_165 : vector<1x128xf32> to vector<64x128xf32>
      %sub3A_167 = arith.subf %broadcast_in_dim3A_10, %broadcast_in_dim3A_166 : vector<64x128xf32>
      %mul3A_168 = arith.mulf %sub3A_159, %sub3A_159 : vector<64x128xf32>
      %mul3A_169 = arith.mulf %sub3A_163, %sub3A_163 : vector<64x128xf32>
      %add3A_170 = arith.addf %mul3A_168, %mul3A_169 : vector<64x128xf32>
      %mul3A_171 = arith.mulf %sub3A_167, %sub3A_167 : vector<64x128xf32>
      %add3A_172 = arith.addf %add3A_170, %mul3A_171 : vector<64x128xf32>
      %lt3A_173 = arith.cmpf olt, %add3A_172, %min3A_143 : vector<64x128xf32>
      %min3A_174 = arith.minimumf %min3A_143, %add3A_172 : vector<64x128xf32>
      %convert_element_type3A_175 = arith.sitofp %scan3A_148 : i32 to f32
      %broadcast_in_dim3A_176 = vector.broadcast %convert_element_type3A_175 : f32 to vector<64x128xf32>
      %select_n3A_177 = arith.select %lt3A_173, %broadcast_in_dim3A_176, %select_n3A_146 : vector<64x128xi1>, vector<64x128xf32>
      %scan3A_178 = arith.constant 4 : i32
      %scan3A_179 = arith.addi %scan3A_56, %scan3A_178 : i32
      %mul3A_180 = arith.constant 128 : i32
      %mul3A_181 = arith.muli %scan3A_179, %mul3A_180 : i32
      %get3A_182 = arith.constant 0 : index
      %get3A_183 = arith.constant 0 : index
      %get3A_184 = arith.index_cast %mul3A_181 : i32 to index
      %get3A_185 = vector.load %arg3[%get3A_182, %get3A_183, %get3A_184] : memref<1x3x8192xf32, #tpu.memory_space<vmem>>, vector<1x3x128xf32>
      %get3A_186 = vector.shape_cast %get3A_185 : vector<1x3x128xf32> to vector<3x128xf32>
      %slice3A_187 = vector.extract_strided_slice %get3A_186 {offsets = [0, 0], sizes = [1, 128], strides = [1, 1]} : vector<3x128xf32> to vector<1x128xf32>
      %broadcast_in_dim3A_188 = vector.shape_cast %slice3A_187 : vector<1x128xf32> to vector<1x128xf32>
      %broadcast_in_dim3A_189 = vector.broadcast %broadcast_in_dim3A_188 : vector<1x128xf32> to vector<64x128xf32>
      %sub3A_190 = arith.subf %broadcast_in_dim3A_4, %broadcast_in_dim3A_189 : vector<64x128xf32>
      %slice3A_191 = vector.extract_strided_slice %get3A_186 {offsets = [1, 0], sizes = [1, 128], strides = [1, 1]} : vector<3x128xf32> to vector<1x128xf32>
      %broadcast_in_dim3A_192 = vector.shape_cast %slice3A_191 : vector<1x128xf32> to vector<1x128xf32>
      %broadcast_in_dim3A_193 = vector.broadcast %broadcast_in_dim3A_192 : vector<1x128xf32> to vector<64x128xf32>
      %sub3A_194 = arith.subf %broadcast_in_dim3A_7, %broadcast_in_dim3A_193 : vector<64x128xf32>
      %slice3A_195 = vector.extract_strided_slice %get3A_186 {offsets = [2, 0], sizes = [1, 128], strides = [1, 1]} : vector<3x128xf32> to vector<1x128xf32>
      %broadcast_in_dim3A_196 = vector.shape_cast %slice3A_195 : vector<1x128xf32> to vector<1x128xf32>
      %broadcast_in_dim3A_197 = vector.broadcast %broadcast_in_dim3A_196 : vector<1x128xf32> to vector<64x128xf32>
      %sub3A_198 = arith.subf %broadcast_in_dim3A_10, %broadcast_in_dim3A_197 : vector<64x128xf32>
      %mul3A_199 = arith.mulf %sub3A_190, %sub3A_190 : vector<64x128xf32>
      %mul3A_200 = arith.mulf %sub3A_194, %sub3A_194 : vector<64x128xf32>
      %add3A_201 = arith.addf %mul3A_199, %mul3A_200 : vector<64x128xf32>
      %mul3A_202 = arith.mulf %sub3A_198, %sub3A_198 : vector<64x128xf32>
      %add3A_203 = arith.addf %add3A_201, %mul3A_202 : vector<64x128xf32>
      %lt3A_204 = arith.cmpf olt, %add3A_203, %min3A_174 : vector<64x128xf32>
      %min3A_205 = arith.minimumf %min3A_174, %add3A_203 : vector<64x128xf32>
      %convert_element_type3A_206 = arith.sitofp %scan3A_179 : i32 to f32
      %broadcast_in_dim3A_207 = vector.broadcast %convert_element_type3A_206 : f32 to vector<64x128xf32>
      %select_n3A_208 = arith.select %lt3A_204, %broadcast_in_dim3A_207, %select_n3A_177 : vector<64x128xi1>, vector<64x128xf32>
      %scan3A_209 = arith.constant 5 : i32
      %scan3A_210 = arith.addi %scan3A_56, %scan3A_209 : i32
      %mul3A_211 = arith.constant 128 : i32
      %mul3A_212 = arith.muli %scan3A_210, %mul3A_211 : i32
      %get3A_213 = arith.constant 0 : index
      %get3A_214 = arith.constant 0 : index
      %get3A_215 = arith.index_cast %mul3A_212 : i32 to index
      %get3A_216 = vector.load %arg3[%get3A_213, %get3A_214, %get3A_215] : memref<1x3x8192xf32, #tpu.memory_space<vmem>>, vector<1x3x128xf32>
      %get3A_217 = vector.shape_cast %get3A_216 : vector<1x3x128xf32> to vector<3x128xf32>
      %slice3A_218 = vector.extract_strided_slice %get3A_217 {offsets = [0, 0], sizes = [1, 128], strides = [1, 1]} : vector<3x128xf32> to vector<1x128xf32>
      %broadcast_in_dim3A_219 = vector.shape_cast %slice3A_218 : vector<1x128xf32> to vector<1x128xf32>
      %broadcast_in_dim3A_220 = vector.broadcast %broadcast_in_dim3A_219 : vector<1x128xf32> to vector<64x128xf32>
      %sub3A_221 = arith.subf %broadcast_in_dim3A_4, %broadcast_in_dim3A_220 : vector<64x128xf32>
      %slice3A_222 = vector.extract_strided_slice %get3A_217 {offsets = [1, 0], sizes = [1, 128], strides = [1, 1]} : vector<3x128xf32> to vector<1x128xf32>
      %broadcast_in_dim3A_223 = vector.shape_cast %slice3A_222 : vector<1x128xf32> to vector<1x128xf32>
      %broadcast_in_dim3A_224 = vector.broadcast %broadcast_in_dim3A_223 : vector<1x128xf32> to vector<64x128xf32>
      %sub3A_225 = arith.subf %broadcast_in_dim3A_7, %broadcast_in_dim3A_224 : vector<64x128xf32>
      %slice3A_226 = vector.extract_strided_slice %get3A_217 {offsets = [2, 0], sizes = [1, 128], strides = [1, 1]} : vector<3x128xf32> to vector<1x128xf32>
      %broadcast_in_dim3A_227 = vector.shape_cast %slice3A_226 : vector<1x128xf32> to vector<1x128xf32>
      %broadcast_in_dim3A_228 = vector.broadcast %broadcast_in_dim3A_227 : vector<1x128xf32> to vector<64x128xf32>
      %sub3A_229 = arith.subf %broadcast_in_dim3A_10, %broadcast_in_dim3A_228 : vector<64x128xf32>
      %mul3A_230 = arith.mulf %sub3A_221, %sub3A_221 : vector<64x128xf32>
      %mul3A_231 = arith.mulf %sub3A_225, %sub3A_225 : vector<64x128xf32>
      %add3A_232 = arith.addf %mul3A_230, %mul3A_231 : vector<64x128xf32>
      %mul3A_233 = arith.mulf %sub3A_229, %sub3A_229 : vector<64x128xf32>
      %add3A_234 = arith.addf %add3A_232, %mul3A_233 : vector<64x128xf32>
      %lt3A_235 = arith.cmpf olt, %add3A_234, %min3A_205 : vector<64x128xf32>
      %min3A_236 = arith.minimumf %min3A_205, %add3A_234 : vector<64x128xf32>
      %convert_element_type3A_237 = arith.sitofp %scan3A_210 : i32 to f32
      %broadcast_in_dim3A_238 = vector.broadcast %convert_element_type3A_237 : f32 to vector<64x128xf32>
      %select_n3A_239 = arith.select %lt3A_235, %broadcast_in_dim3A_238, %select_n3A_208 : vector<64x128xi1>, vector<64x128xf32>
      %scan3A_240 = arith.constant 6 : i32
      %scan3A_241 = arith.addi %scan3A_56, %scan3A_240 : i32
      %mul3A_242 = arith.constant 128 : i32
      %mul3A_243 = arith.muli %scan3A_241, %mul3A_242 : i32
      %get3A_244 = arith.constant 0 : index
      %get3A_245 = arith.constant 0 : index
      %get3A_246 = arith.index_cast %mul3A_243 : i32 to index
      %get3A_247 = vector.load %arg3[%get3A_244, %get3A_245, %get3A_246] : memref<1x3x8192xf32, #tpu.memory_space<vmem>>, vector<1x3x128xf32>
      %get3A_248 = vector.shape_cast %get3A_247 : vector<1x3x128xf32> to vector<3x128xf32>
      %slice3A_249 = vector.extract_strided_slice %get3A_248 {offsets = [0, 0], sizes = [1, 128], strides = [1, 1]} : vector<3x128xf32> to vector<1x128xf32>
      %broadcast_in_dim3A_250 = vector.shape_cast %slice3A_249 : vector<1x128xf32> to vector<1x128xf32>
      %broadcast_in_dim3A_251 = vector.broadcast %broadcast_in_dim3A_250 : vector<1x128xf32> to vector<64x128xf32>
      %sub3A_252 = arith.subf %broadcast_in_dim3A_4, %broadcast_in_dim3A_251 : vector<64x128xf32>
      %slice3A_253 = vector.extract_strided_slice %get3A_248 {offsets = [1, 0], sizes = [1, 128], strides = [1, 1]} : vector<3x128xf32> to vector<1x128xf32>
      %broadcast_in_dim3A_254 = vector.shape_cast %slice3A_253 : vector<1x128xf32> to vector<1x128xf32>
      %broadcast_in_dim3A_255 = vector.broadcast %broadcast_in_dim3A_254 : vector<1x128xf32> to vector<64x128xf32>
      %sub3A_256 = arith.subf %broadcast_in_dim3A_7, %broadcast_in_dim3A_255 : vector<64x128xf32>
      %slice3A_257 = vector.extract_strided_slice %get3A_248 {offsets = [2, 0], sizes = [1, 128], strides = [1, 1]} : vector<3x128xf32> to vector<1x128xf32>
      %broadcast_in_dim3A_258 = vector.shape_cast %slice3A_257 : vector<1x128xf32> to vector<1x128xf32>
      %broadcast_in_dim3A_259 = vector.broadcast %broadcast_in_dim3A_258 : vector<1x128xf32> to vector<64x128xf32>
      %sub3A_260 = arith.subf %broadcast_in_dim3A_10, %broadcast_in_dim3A_259 : vector<64x128xf32>
      %mul3A_261 = arith.mulf %sub3A_252, %sub3A_252 : vector<64x128xf32>
      %mul3A_262 = arith.mulf %sub3A_256, %sub3A_256 : vector<64x128xf32>
      %add3A_263 = arith.addf %mul3A_261, %mul3A_262 : vector<64x128xf32>
      %mul3A_264 = arith.mulf %sub3A_260, %sub3A_260 : vector<64x128xf32>
      %add3A_265 = arith.addf %add3A_263, %mul3A_264 : vector<64x128xf32>
      %lt3A_266 = arith.cmpf olt, %add3A_265, %min3A_236 : vector<64x128xf32>
      %min3A_267 = arith.minimumf %min3A_236, %add3A_265 : vector<64x128xf32>
      %convert_element_type3A_268 = arith.sitofp %scan3A_241 : i32 to f32
      %broadcast_in_dim3A_269 = vector.broadcast %convert_element_type3A_268 : f32 to vector<64x128xf32>
      %select_n3A_270 = arith.select %lt3A_266, %broadcast_in_dim3A_269, %select_n3A_239 : vector<64x128xi1>, vector<64x128xf32>
      %scan3A_271 = arith.constant 7 : i32
      %scan3A_272 = arith.addi %scan3A_56, %scan3A_271 : i32
      %mul3A_273 = arith.constant 128 : i32
      %mul3A_274 = arith.muli %scan3A_272, %mul3A_273 : i32
      %get3A_275 = arith.constant 0 : index
      %get3A_276 = arith.constant 0 : index
      %get3A_277 = arith.index_cast %mul3A_274 : i32 to index
      %get3A_278 = vector.load %arg3[%get3A_275, %get3A_276, %get3A_277] : memref<1x3x8192xf32, #tpu.memory_space<vmem>>, vector<1x3x128xf32>
      %get3A_279 = vector.shape_cast %get3A_278 : vector<1x3x128xf32> to vector<3x128xf32>
      %slice3A_280 = vector.extract_strided_slice %get3A_279 {offsets = [0, 0], sizes = [1, 128], strides = [1, 1]} : vector<3x128xf32> to vector<1x128xf32>
      %broadcast_in_dim3A_281 = vector.shape_cast %slice3A_280 : vector<1x128xf32> to vector<1x128xf32>
      %broadcast_in_dim3A_282 = vector.broadcast %broadcast_in_dim3A_281 : vector<1x128xf32> to vector<64x128xf32>
      %sub3A_283 = arith.subf %broadcast_in_dim3A_4, %broadcast_in_dim3A_282 : vector<64x128xf32>
      %slice3A_284 = vector.extract_strided_slice %get3A_279 {offsets = [1, 0], sizes = [1, 128], strides = [1, 1]} : vector<3x128xf32> to vector<1x128xf32>
      %broadcast_in_dim3A_285 = vector.shape_cast %slice3A_284 : vector<1x128xf32> to vector<1x128xf32>
      %broadcast_in_dim3A_286 = vector.broadcast %broadcast_in_dim3A_285 : vector<1x128xf32> to vector<64x128xf32>
      %sub3A_287 = arith.subf %broadcast_in_dim3A_7, %broadcast_in_dim3A_286 : vector<64x128xf32>
      %slice3A_288 = vector.extract_strided_slice %get3A_279 {offsets = [2, 0], sizes = [1, 128], strides = [1, 1]} : vector<3x128xf32> to vector<1x128xf32>
      %broadcast_in_dim3A_289 = vector.shape_cast %slice3A_288 : vector<1x128xf32> to vector<1x128xf32>
      %broadcast_in_dim3A_290 = vector.broadcast %broadcast_in_dim3A_289 : vector<1x128xf32> to vector<64x128xf32>
      %sub3A_291 = arith.subf %broadcast_in_dim3A_10, %broadcast_in_dim3A_290 : vector<64x128xf32>
      %mul3A_292 = arith.mulf %sub3A_283, %sub3A_283 : vector<64x128xf32>
      %mul3A_293 = arith.mulf %sub3A_287, %sub3A_287 : vector<64x128xf32>
      %add3A_294 = arith.addf %mul3A_292, %mul3A_293 : vector<64x128xf32>
      %mul3A_295 = arith.mulf %sub3A_291, %sub3A_291 : vector<64x128xf32>
      %add3A_296 = arith.addf %add3A_294, %mul3A_295 : vector<64x128xf32>
      %lt3A_297 = arith.cmpf olt, %add3A_296, %min3A_267 : vector<64x128xf32>
      %min3A_298 = arith.minimumf %min3A_267, %add3A_296 : vector<64x128xf32>
      %convert_element_type3A_299 = arith.sitofp %scan3A_272 : i32 to f32
      %broadcast_in_dim3A_300 = vector.broadcast %convert_element_type3A_299 : f32 to vector<64x128xf32>
      %select_n3A_301 = arith.select %lt3A_297, %broadcast_in_dim3A_300, %select_n3A_270 : vector<64x128xi1>, vector<64x128xf32>
      scf.yield %min3A_298, %select_n3A_301 : vector<64x128xf32>, vector<64x128xf32>
    }
    %scan3A_19 = arith.constant 64 : i32
    %reduce_min3A = arith.constant dense<0x7F800000> : vector<64xf32>
    %reduce_min3A_20 = vector.multi_reduction <minimumf>, %scan3A_18#0, %reduce_min3A [1] : vector<64x128xf32> to vector<64xf32>
    %iota3A = tpu.iota {dimensions = array<i32: 1>} : vector<64x128xi32>
    %convert_element_type3A = arith.sitofp %iota3A : vector<64x128xi32> to vector<64x128xf32>
    %mul3A = arith.constant 1.280000e+02 : f32
    %mul3A_21 = vector.broadcast %mul3A : f32 to vector<64x128xf32>
    %mul3A_22 = arith.mulf %scan3A_18#1, %mul3A_21 : vector<64x128xf32>
    %add3A = arith.addf %mul3A_22, %convert_element_type3A : vector<64x128xf32>
    %broadcast_in_dim3A_23 = vector.shape_cast %reduce_min3A_20 : vector<64xf32> to vector<64x1xf32>
    %eq3A = vector.broadcast %broadcast_in_dim3A_23 : vector<64x1xf32> to vector<64x128xf32>
    %eq3A_24 = arith.cmpf oeq, %scan3A_18#0, %eq3A : vector<64x128xf32>
    %jit3A = arith.constant 1.638400e+04 : f32
    %broadcast_in_dim3A_25 = vector.broadcast %jit3A : f32 to vector<64x128xf32>
    %select_n3A = arith.select %eq3A_24, %add3A, %broadcast_in_dim3A_25 : vector<64x128xi1>, vector<64x128xf32>
    %reduce_min3A_26 = arith.constant dense<0x7F800000> : vector<64xf32>
    %reduce_min3A_27 = vector.multi_reduction <minimumf>, %select_n3A, %reduce_min3A_26 [1] : vector<64x128xf32> to vector<64xf32>
    %swap3A = arith.constant 0 : index
    %swap3A_28 = arith.constant 0 : index
    %swap3A_29 = arith.constant 0 : index
    %swap3A_30 = vector.load %arg4[%swap3A, %swap3A_28, %swap3A_29] : memref<1x1x64xf32, #tpu.memory_space<vmem>>, vector<1x1x64xf32>
    %swap3A_31 = vector.shape_cast %swap3A_30 : vector<1x1x64xf32> to vector<64xf32>
    %swap3A_32 = vector.shape_cast %reduce_min3A_20 : vector<64xf32> to vector<1x1x64xf32>
    tpu.vector_store %arg4[%swap3A, %swap3A_28, %swap3A_29], %swap3A_32 {strides = array<i32>} : memref<1x1x64xf32, #tpu.memory_space<vmem>>, vector<1x1x64xf32>,
    %convert_element_type3A_33 = arith.fptosi %reduce_min3A_27 : vector<64xf32> to vector<64xi32>
    %swap3A_34 = arith.constant 0 : index
    %swap3A_35 = arith.constant 0 : index
    %swap3A_36 = arith.constant 0 : index
    %swap3A_37 = vector.load %arg5[%swap3A_34, %swap3A_35, %swap3A_36] : memref<1x1x64xi32, #tpu.memory_space<vmem>>, vector<1x1x64xi32>
    %swap3A_38 = vector.shape_cast %swap3A_37 : vector<1x1x64xi32> to vector<64xi32>
    %swap3A_39 = vector.shape_cast %convert_element_type3A_33 : vector<64xi32> to vector<1x1x64xi32>
    tpu.vector_store %arg5[%swap3A_34, %swap3A_35, %swap3A_36], %swap3A_39 {strides = array<i32>} : memref<1x1x64xi32, #tpu.memory_space<vmem>>, vector<1x1x64xi32>,
    %eq3A_40 = arith.constant 0 : i32
    %eq3A_41 = arith.cmpi eq, %arg1, %eq3A_40 : i32
    %convert_element_type3A_42 = arith.extui %eq3A_41 : i1 to i32
    %cond3A = arith.constant 0 : i32
    %cond3A_43 = arith.cmpi ne, %convert_element_type3A_42, %cond3A : i32
    scf.if %cond3A_43 {
      %broadcast_in_dim3A_56 = arith.constant 0.000000e+00 : f32
      %broadcast_in_dim3A_57 = vector.broadcast %broadcast_in_dim3A_56 : f32 to vector<64xf32>
      %swap3A_58 = arith.constant 0 : index
      %swap3A_59 = arith.constant 0 : index
      %swap3A_60 = arith.constant 0 : index
      %swap3A_61 = vector.load %arg6[%swap3A_58, %swap3A_59, %swap3A_60] : memref<1x1x64xf32, #tpu.memory_space<vmem>>, vector<1x1x64xf32>
      %swap3A_62 = vector.shape_cast %swap3A_61 : vector<1x1x64xf32> to vector<64xf32>
      %swap3A_63 = vector.shape_cast %broadcast_in_dim3A_57 : vector<64xf32> to vector<1x1x64xf32>
      tpu.vector_store %arg6[%swap3A_58, %swap3A_59, %swap3A_60], %swap3A_63 {strides = array<i32>} : memref<1x1x64xf32, #tpu.memory_space<vmem>>, vector<1x1x64xf32>,
    } else {
    }
    %get3A_44 = arith.constant 0 : index
    %get3A_45 = arith.constant 0 : index
    %get3A_46 = arith.constant 0 : index
    %get3A_47 = vector.load %arg6[%get3A_44, %get3A_45, %get3A_46] : memref<1x1x64xf32, #tpu.memory_space<vmem>>, vector<1x1x64xf32>
    %get3A_48 = vector.shape_cast %get3A_47 : vector<1x1x64xf32> to vector<64xf32>
    %add3A_49 = arith.addf %get3A_48, %reduce_min3A_20 : vector<64xf32>
    %swap3A_50 = arith.constant 0 : index
    %swap3A_51 = arith.constant 0 : index
    %swap3A_52 = arith.constant 0 : index
    %swap3A_53 = vector.load %arg6[%swap3A_50, %swap3A_51, %swap3A_52] : memref<1x1x64xf32, #tpu.memory_space<vmem>>, vector<1x1x64xf32>
    %swap3A_54 = vector.shape_cast %swap3A_53 : vector<1x1x64xf32> to vector<64xf32>
    %swap3A_55 = vector.shape_cast %add3A_49 : vector<64xf32> to vector<1x1x64xf32>
    tpu.vector_store %arg6[%swap3A_50, %swap3A_51, %swap3A_52], %swap3A_55 {strides = array<i32>} : memref<1x1x64xf32, #tpu.memory_space<vmem>>, vector<1x1x64xf32>,
    return
  }
  func.func @transform_0(%arg0: i32, %arg1: i32) -> (i32, i32, i32) {
    %c0_i32 = arith.constant 0 : i32
    %c0_i32_0 = arith.constant 0 : i32
    return %arg0, %arg1, %c0_i32 : i32, i32, i32
  }
  func.func @transform_1(%arg0: i32, %arg1: i32) -> (i32, i32, i32) {
    %c0_i32 = arith.constant 0 : i32
    %c0_i32_0 = arith.constant 0 : i32
    %c0_i32_1 = arith.constant 0 : i32
    return %arg0, %c0_i32, %c0_i32_0 : i32, i32, i32
  }
  func.func @transform_2(%arg0: i32, %arg1: i32) -> (i32, i32, i32) {
    %mul3A = arith.constant 92 : i32
    %mul3A_0 = arith.muli %arg0, %mul3A : i32
    %add3A = arith.addi %mul3A_0, %arg1 : i32
    %c0_i32 = arith.constant 0 : i32
    %c0_i32_1 = arith.constant 0 : i32
    %c0_i32_2 = arith.constant 0 : i32
    return %add3A, %c0_i32, %c0_i32_1 : i32, i32, i32
  }
  func.func @transform_3(%arg0: i32, %arg1: i32) -> (i32, i32, i32) {
    %mul3A = arith.constant 92 : i32
    %mul3A_0 = arith.muli %arg0, %mul3A : i32
    %add3A = arith.addi %mul3A_0, %arg1 : i32
    %c0_i32 = arith.constant 0 : i32
    %c0_i32_1 = arith.constant 0 : i32
    %c0_i32_2 = arith.constant 0 : i32
    return %add3A, %c0_i32, %c0_i32_1 : i32, i32, i32
  }
  func.func @transform_4(%arg0: i32, %arg1: i32) -> (i32, i32, i32) {
    %c0_i32 = arith.constant 0 : i32
    %c0_i32_0 = arith.constant 0 : i32
    %c0_i32_1 = arith.constant 0 : i32
    return %arg0, %c0_i32, %c0_i32_0 : i32, i32, i32
  }
}

</mosaic_0001>

<sc_bundles>
// kernel: kernel.4.cloned.1.call-start
scs
__scs_entry_jumppad:
0x0: {  	(pc) =	sbr.rel $0x88, $3  }
0x1: {  	(tag) =	ssettag $0x0;
	lr =	simm.s32 $0x1  }
0x2: {  	[smem:$0x3F9F] =	sst lr;
	_ =	strace $0xD0000000  }
0x3: {  	_ = 	snop  }
0x4: {  	_ = 	snop  }
0x5: {  	_ = 	snop  }
0x6: {  	_ = 	snop  }
0x7: {  	_ = 	snop  }
__scs_overlays_trampoline_lowered:
0x8: {  	[smem:$0x3FAE] =	sst s0  }
0x9: {  	[smem:$0x3FAF] =	sst s1  }
0xa: {  	[smem:$0x3FB0] =	sst s2  }
0xb: {  	[smem:$0x3FB1] =	sst s3  }
0xc: {  	[smem:$0x3FB2] =	sst s4  }
0xd: {  	[smem:$0x3FB3] =	sst s5  }
0xe: {  	[smem:$0x3FB4] =	sst s6  }
0xf: {  	[smem:$0x3FB5] =	sst s7  }
0x10: {  	[smem:$0x3FB6] =	sst s8  }
0x11: {  	[smem:$0x3FB7] =	sst s9;
	s0 =	simm.s32 @!p0 $0x0  }
0x12: {  	s1 =	sld [smem:$0x3F9D];
	s0 =	simm.s32 @p0 $0x1  }
0x13: {  	[smem:$0x3FB8] =	sst s0;
	s0 =	simm.s32 @!p1 $0x0  }
0x14: {  	s2 =	sld [smem:$0x3F9C];
	s0 =	simm.s32 @p1 $0x1  }
0x15: {  	[smem:$0x3FB9] =	sst s0;
	s0 =	simm.s32 @!p2 $0x0  }
0x16: {  	s3 =	sld [smem:$0x3FDB];
	s0 =	simm.s32 @p2 $0x1  }
0x17: {  	s4 =	simm.s32 $0x1BF5;
	[smem:$0x3FBB] =	sst s0  }
0x18: {  	s0 =	sld [smem:$0x3F9E];
	_ =	swait.ge [sflag:s4], $0x0  }
0x19: {  	s7 =	sld [smem:$0x3F9F]  }
0x1a: {  	s8 =	sadd.s32 $0xFFFFE003, lr  }
0x1b: {  	s9 =	sadd.s32 $0xFFFFFEF7, lr;
	s5 =	simm.s32 $0xFFFFFFFF;
	p2 =	slt.u32 s8, $0xFFFFF086  }
0x1c: {  	p1 =	slt.u32 s9, $0xF7A;
	s5 =	simm.s32 @!p2 $0x0  }
0x1d: {  	s5 =	simm.s32 @p1 $0x1;
	p0 =	seq.s32 s7, s2  }
0x1e: {  	s7 =	smul.u32 @!p0 $0xF7A, s2;
	p2 =	seq.s32 @!p0 s5, $0x0  }
0x1f: {  	s9 =	smul.u32 $0xF7A, s1;
	s8 =	simm.s32 @!p0 $0x1BF5;
	p2 =	por !p2, p0  }
0x20: {  	[sflag:s8] =	ssyncset.s32 @!p0 $0xFFFFF086;
	s6 =	sadd.s32 @!p0 s3, s7;
	s7 =	simm.s32 @!p0 $0x108  }
0x21: {  	s3 =	sadd.s32 s3, s9;
	s6 =	sadd.s32 @!p0 $0x88, s6;
	s7 =	simm.s32 @p2 $0x1082  }
0x22: {  	[simem:s7], [sflag:s8] =	dma.local @!p0 [hbm:s6], $0xF7A  }
0x23: {  	s9 =	sor.u32 $0xD0000000, s2;
	s6 =	simm.s32 $0x108;
	_ =	swait.ge @!p0 [sflag:s8], $0x0  }
0x24: {  	s3 =	sadd.s32 $0x88, s3;
	s6 =	simm.s32 @!p1 $0x1082;
	[sflag:s4] =	ssyncset.s32 $0xFFFFF086  }
0x25: {  	[simem:s6], [sflag:s4] =	dma.local [hbm:s3], $0xF7A  }
0x26: {  	[smem:$0x3F9F] =	sst s1;
	(tag) =	ssettag s2;
	_ =	strace s9  }
0x27: {  	s1 =	sld [smem:$0x3FAF]  }
0x28: {  	s2 =	sld [smem:$0x3FB0]  }
0x29: {  	s4 =	sld [smem:$0x3FB2]  }
0x2a: {  	p0 =	seq.s32 s5, $0x0;
	s5 =	sld [smem:$0x3FB3]  }
0x2b: {  	s6 =	sld [smem:$0x3FB4]  }
0x2c: {  	s7 =	sld [smem:$0x3FB5]  }
0x2d: {  	s3 =	simm.s32 $0x108;
	s8 =	sld [smem:$0x3FB6]  }
0x2e: {  	s3 =	simm.s32 @!p0 $0x1082;
	s9 =	sld [smem:$0x3FB7]  }
0x2f: {  	lr =	sadd.s32 s0, s3;
	s0 =	sld [smem:$0x3FAE]  }
0x30: {  	s3 =	sld [smem:$0x3FB1]  }
0x31: {  	[smem:$0x3FBA] =	sst s10  }
0x32: {  	s10 =	sld [smem:$0x3FB8];
	_ =	sdelay $0x3  }
0x33: {  	p0 =	seq.s32 s10, $0x1;
	s10 =	sld [smem:$0x3FBA];
	_ =	sdelay $0x3  }
0x34: {  	[smem:$0x3FBA] =	sst s10  }
0x35: {  	s10 =	sld [smem:$0x3FB9];
	_ =	sdelay $0x3  }
0x36: {  	p1 =	seq.s32 s10, $0x1;
	s10 =	sld [smem:$0x3FBA];
	_ =	sdelay $0x3  }
0x37: {  	[smem:$0x3FBA] =	sst s10  }
0x38: {  	s10 =	sld [smem:$0x3FBB]  }
0x39: {  	_ = 	snop;
	(pc) =	sbr.ind lr, $3  }
0x3a: {  	_ = 	snop  }
0x3b: {  	_ = 	snop  }
0x3c: {  	p2 =	seq.s32 s10, $0x1;
	s10 =	sld [smem:$0x3FBA]  }
0x3d: {  	_ =	shalt  }
0x3e: {  	_ =	shalt  }
0x3f: {  	_ =	shalt  }
0x40: {  	_ =	shalt  }
0x41: {  	_ =	shalt  }
0x42: {  	_ =	shalt  }
0x43: {  	_ =	shalt  }
0x44: {  	_ =	shalt  }
0x45: {  	_ =	shalt  }
0x46: {  	_ =	shalt  }
0x47: {  	_ =	shalt  }
0x48: {  	_ =	shalt  }
0x49: {  	_ =	shalt  }
0x4a: {  	_ =	shalt  }
0x4b: {  	_ =	shalt  }
0x4c: {  	_ =	shalt  }
0x4d: {  	_ =	shalt  }
0x4e: {  	_ =	shalt  }
0x4f: {  	_ =	shalt  }
0x50: {  	_ =	shalt  }
0x51: {  	_ =	shalt  }
0x52: {  	_ =	shalt  }
0x53: {  	_ =	shalt  }
0x54: {  	_ =	shalt  }
0x55: {  	_ =	shalt  }
0x56: {  	_ =	shalt  }
0x57: {  	_ =	shalt  }
0x58: {  	_ =	shalt  }
0x59: {  	_ =	shalt  }
0x5a: {  	_ =	shalt  }
0x5b: {  	_ =	shalt  }
0x5c: {  	_ =	shalt  }
0x5d: {  	_ =	shalt  }
0x5e: {  	_ =	shalt  }
0x5f: {  	_ =	shalt  }
0x60: {  	_ =	shalt  }
0x61: {  	_ =	shalt  }
0x62: {  	_ =	shalt  }
0x63: {  	_ =	shalt  }
0x64: {  	_ =	shalt  }
0x65: {  	_ =	shalt  }
0x66: {  	_ =	shalt  }
0x67: {  	_ =	shalt  }
0x68: {  	_ =	shalt  }
0x69: {  	_ =	shalt  }
0x6a: {  	_ =	shalt  }
0x6b: {  	_ =	shalt  }
0x6c: {  	_ =	shalt  }
0x6d: {  	_ =	shalt  }
0x6e: {  	_ =	shalt  }
0x6f: {  	_ =	shalt  }
0x70: {  	_ =	shalt  }
0x71: {  	_ =	shalt  }
0x72: {  	_ =	shalt  }
0x73: {  	_ =	shalt  }
0x74: {  	_ =	shalt  }
0x75: {  	_ =	shalt  }
0x76: {  	_ =	shalt  }
0x77: {  	_ =	shalt  }
0x78: {  	_ =	shalt  }
0x79: {  	_ =	shalt  }
0x7a: {  	_ =	shalt  }
0x7b: {  	_ =	shalt  }
0x7c: {  	_ =	shalt  }
0x7d: {  	_ =	shalt  }
0x7e: {  	_ =	shalt  }
0x7f: {  	_ =	shalt  }
0x80: {  	_ =	shalt  }
0x81: {  	_ =	shalt  }
0x82: {  	_ =	shalt  }
0x83: {  	_ =	shalt  }
0x84: {  	_ =	shalt  }
0x85: {  	_ =	shalt  }
0x86: {  	_ =	shalt  }
0x87: {  	_ =	shalt  }
.Lfunc_end0:
.L_simem_size_0:
called_computation_lowered:
.L_overlay_start_0:
0x88: {  	s2 =	sld [smem:$0x3FD9]  }
0x89: {  	s3 =	sld [smem:$0x3FFE];
	_ =	sdelay $0x1  }
0x8a: {  	s1 =	srdreg.scid  }
0x8b: {  	s0 =	sand.u32 $0x1, s1  }
0x8c: {  	s14 =	sshll.u32 s0, $0xA;
	s2 =	sadd.s32 s3, s2  }
0x8d: {  	s2 =	sadd.s32 s2, s14  }
0x8e: {  	[smem:$0x3FC6] =	sst s2  }
0x8f: {  	_ = 	snop  }
0x90: {  	s2 =	sld [smem:$0x3FD0];
	_ =	sdelay $0x2  }
0x91: {  	s15 =	simm.s32 $0xA;
	s4 =	simm.s32 $0x10  }
0x92: {  	[smem:s4], [sflag:s15] =	dma.local [hbm:s2], $0x1  }
0x93: {  	_ =	swait.eq [sflag:s15], $0x1  }
0x94: {  	[sflag:s15] =	ssyncset.done $0x0  }
0x95: {  	s16 =	sld [smem:$0x11];
	[sflag:s15] =	ssyncadd.s32 $0xFFFFFFFF  }
0x96: {  	s17 =	sld [smem:$0x12];
	(tm) =	ssettm $0x1  }
0x97: {  	s18 =	sld [smem:$0x3FFB];
	_ =	sdelay $0x3  }
0x98: {  	_ =	strace s18  }
0x99: {  	s4 =	sld [smem:$0x3FFC];
	_ =	sdelay $0x3  }
0x9a: {  	_ =	strace s4  }
0x9b: {  	s4 =	sld [smem:$0x3FFD];
	_ =	sdelay $0x3  }
0x9c: {  	_ =	strace s4  }
0x9d: {  	_ =	strace $0x8FFFFFFF  }
0x9e: {  	s19 =	sld [smem:$0x3FDB];
	_ =	sdelay $0x1  }
0x9f: {  	s5 =	simm.s32 $_scs_section_size  }
0xa0: {  	s6 =	simm.s32 $_size__tile_overlayer_lowered;
	s7 =	simm.s32 $_tile_overlayer_lowered  }
0xa1: {  	s22 =	simm.s32 $0x1BFF;
	s21 =	sshll.u32 s7, $0x1;
	s4 =	sadd.s32 s5, s19  }
0xa2: {  	s8 =	simm.s32 $0x0;
	s20 =	sshll.u32 s6, $0x1;
	s6 =	sadd.s32 s21, s4  }
0xa3: {  	[timem:s8], [sflag:s22] =	dma.local [hbm:s6], s20  }
0xa4: {  	_ =	swait.ge [sflag:s22], s20  }
0xa5: {  	s5 =	ssub.s32 $0x0, s20;
	[sflag:s22] =	ssyncset.done $0x0  }
0xa6: {  	[sflag:s22] =	ssyncadd.s32 s5;
	_ =	sdelay $0x1  }
0xa7: {  	s23 =	simm.s32 $0x1B8B  }
0xa8: {  	_ =	swait.ge [sflag:s23], $0x1  }
0xa9: {  	[sflag:s23] =	ssyncset.done $0x0  }
0xaa: {  	s25 =	simm.s32 $0x1B8E;
	s24 =	sld [smem:$0x3FFE];
	[sflag:s23] =	ssyncadd.s32 $0xFFFFFFFF  }
0xab: {  	s26 =	simm.s32 $execute0_lowered;
	[smem:$0x3FD2] =	sst s25  }
0xac: {  	s6 =	sshll.u32 s26, $0x1;
	_ =	strace $0x80000046;
	[dreg:$0x1] =	wrdreg $0xFFFFFFFF  }
0xad: {  	s28 =	simm.s32 $_size_execute0_lowered;
	s4 =	sadd.s32 s4, s6;
	[dreg:$0x0] =	wrdreg $0x0  }
0xae: {  	s6 =	sshll.u32 s28, $0x1;
	[dreg:$0x2] =	wrdreg s4  }
0xaf: {  	[dreg:$0x3] =	wrdreg s6  }
0xb0: {  	[dreg:$0x4] =	wrdreg $0xC0  }
0xb1: {  	_ =	task [dreg:s8], $0x5FFFF  }
0xb2: {  	[dreg:$0x1] =	wrdreg $0xFFFFFFFF  }
0xb3: {  	[dreg:$0x0] =	wrdreg $0x60  }
0xb4: {  	[dreg:$0x2] =	wrdreg s16  }
0xb5: {  	[dreg:$0x3] =	wrdreg s17  }
0xb6: {  	[dreg:$0x4] =	wrdreg s24  }
0xb7: {  	[dreg:$0x5] =	wrdreg $0x9  }
0xb8: {  	_ =	task.clear_ibuf [dreg:s8], $0x6FFFF;
	_ =	strace $0x90000046  }
0xb9: {  	s29 =	simm.s32 $0x9;
	_ =	strace $0x80000048  }
0xba: {  	_ =	swait.ge [sflag:s29], $0x1  }
0xbb: {  	[sflag:s29] =	ssyncadd.s32 $0xFFFFFFFF  }
0xbc: {  	_ =	strace $0x90000048  }
0xbd: {  	_ =	sfence  }
0xbe: {  	s30 =	sld [smem:$0x0];
	_ =	sdelay $0x2  }
0xbf: {  	s31 =	sshll.u32 s1, $0xD;
	s1 =	sshrl.u32 s1, $0x2  }
0xc0: {  	s3 =	sand.u32 $0x4000, s31;
	s1 =	sadd.s32 s1, s30  }
0xc1: {  	s0 =	sor.u32 s3, s0;
	s1 =	sshll.u32 s1, $0x11  }
0xc2: {  	s0 =	sor.u32 s1, s0  }
0xc3: {  	s0 =	sadd.s32 $0x8F2B, s0  }
0xc4: {  	[sflag:s0] =	ssyncadd.remote.s32 $0x1  }
0xc5: {  	_ =	sfence.sel $0xFFFF  }
0xc6: {  	[dreg:$0x0] =	wrdreg $0xFFFFFFFF;
	(pc) =	sbr.abs _section_cstart, $3  }
0xc7: {  	[dreg:$0x1] =	wrdreg $0xFFFFFFFF  }
0xc8: {  	_ =	task.clear_ibuf [dreg:s8], $0x2FFFF;
	_ =	strace $0x9FFFFFFF  }
0xc9: {  	(tm) =	ssettm $0x7FFFFFFF  }
tec
execute0_lowered:
.L_overlay_start_1:
0x0: {  	(tag) =	ssettag $0x1  }
0x1: {  	s3 =	rddreg [dreg:$0x0]  }
0x2: {  	s4 =	rddreg [dreg:$0x1]  }
0x3: {  	s5 =	rddreg [dreg:$0x2];
	s2 =	simm.s32 $0x0  }
0x4: {  	s1 =	stileid.u32;
	s6 =	srdreg.scid;
	s13 =	simm.s32 $0x1  }
0x5: {  	s14 =	simm.s32 $0x280;
	s15 =	simm.s32 $0x500;
	s16 =	simm.s32 $0x780  }
0x6: {  	s17 =	simm.s32 $0x2780;
	s18 =	simm.s32 $0x4780;
	s19 =	simm.s32 $0x6780  }
0x7: {  	s20 =	simm.s32 $0x6A00;
	s21 =	simm.s32 $0x6C80;
	s22 =	simm.s32 $0x0  }
0x8: {  	[smem:$0x7FF] =	sst s2;
	s6 =	sand.u32 $0x1, s6;
	s8 =	sshll.u32 s1, $0x1  }
0x9: {  	s7 =	sshll.u32 s1, $0x9;
	_ =	strace $0x80000047;
	s8 =	sor.u32 s6, s8  }
0xa: {  	v0 =	vimm.s32 $0x0;
	s7 =	sand.u32 $0x1C00, s7;
	s6 =	ssub.s32 $0x2, s6;
	s9 =	sshll.u32 s8, $0x1  }
0xb: {  	v1 =	vimm.s32 $0x1;
	v2 =	vimm.s32 $0x2;
	v3 =	vimm.s32 $0x3;
	s8 =	smul.u32 $0x48, s8;
	s10 =	sadd.s32 s7, s5;
	s31 =	sshrl.u32 s6, $0x1  }
0xc: {  	v4 =	vimm.s32 $0x4;
	v5 =	vimm.s32 $0x5;
	v6 =	vimm.s32 $0x6;
	s11 =	sadd.s32 s9, s5;
	s12 =	ssub.s32 s6, s31;
	s6 =	sadd.s32 $0x4A00, s10  }
0xd: {  	v7 =	vimm.s32 $0x7;
	v8 =	vimm.s32 $0x8;
	v9 =	vimm.s32 $0x9;
	s7 =	sadd.s32 $0x2A00, s10;
	s3 =	sadd.s32 s3, s8;
	s4 =	sadd.s32 s4, s8  }
0xe: {  	v10 =	vimm.s32 $0xA;
	v11 =	vimm.s32 $0xB;
	v12 =	vimm.s32 $0xC;
	s5 =	sadd.s32 s5, s8;
	s8 =	sadd.s32 $0xA00, s10;
	s11 =	sadd.s32 $0x7400, s11  }
0xf: {  	v13 =	vimm.s32 $0xD;
	v14 =	vimm.s32 $0xE;
	v15 =	vimm.s32 $0xF;
	s12 =	smax.u32 s12, $0x1;
	s9 =	sadd.s32 $0x6A00, s5;
	s10 =	sadd.s32 $0x7600, s5  }
.LBB2_1:
0x10: {  	[tilespmem:s2], [sflag:$0x1] =	stream.linear.gather [hbm4b:s3+s2], $0x240, $0x38;
	[tilespmem:$0x6D00] =	vst v63  }
0x11: {  	_ =	swait.ge [sflag:s13], $0x240  }
0x12: {  	[sflag:s13] =	ssyncset.done $0x0  }
0x13: {  	[sflag:s13] =	ssyncadd.s32 $0xFFFFFDC0  }
0x14: {  	[tilespmem:s14], [sflag:$0x1] =	stream.linear.gather [hbm4b:s4+s2], $0x240, $0x38;
	[tilespmem:$0x6D00] =	vst v63  }
0x15: {  	_ =	swait.ge [sflag:s13], $0x240  }
0x16: {  	[sflag:s13] =	ssyncset.done $0x0  }
0x17: {  	[sflag:s13] =	ssyncadd.s32 $0xFFFFFDC0  }
0x18: {  	[tilespmem:s15], [sflag:$0x1] =	stream.linear.gather [hbm4b:s5+s2], $0x240, $0x38;
	[tilespmem:$0x6D00] =	vst v63  }
0x19: {  	_ =	swait.ge [sflag:s13], $0x240  }
0x1a: {  	[sflag:s13] =	ssyncset.done $0x0  }
0x1b: {  	[sflag:s13] =	ssyncadd.s32 $0xFFFFFDC0  }
0x1c: {  	[tilespmem:s16], [sflag:$0x1] =	stream.linear.gather [hbm4b:s6+s2], $0x2000, $0x38;
	[tilespmem:$0x6D00] =	vst v63  }
0x1d: {  	_ =	swait.ge [sflag:s13], $0x2000  }
0x1e: {  	[sflag:s13] =	ssyncset.done $0x0  }
0x1f: {  	[sflag:s13] =	ssyncadd.s32 $0xFFFFE000  }
0x20: {  	[tilespmem:s17], [sflag:$0x1] =	stream.linear.gather [hbm4b:s7+s2], $0x2000, $0x38;
	[tilespmem:$0x6D00] =	vst v63  }
0x21: {  	_ =	swait.ge [sflag:s13], $0x2000  }
0x22: {  	[sflag:s13] =	ssyncset.done $0x0  }
0x23: {  	[sflag:s13] =	ssyncadd.s32 $0xFFFFE000  }
0x24: {  	[tilespmem:s18], [sflag:$0x1] =	stream.linear.gather [hbm4b:s8+s2], $0x2000, $0x38;
	[tilespmem:$0x6D00] =	vst v63  }
0x25: {  	_ =	swait.ge [sflag:s13], $0x2000  }
0x26: {  	[sflag:s13] =	ssyncset.done $0x0  }
0x27: {  	v16 =	vimm.f32 $0.0e+00;
	s23 =	simm.s32 $0x0;
	[sflag:s13] =	ssyncadd.s32 $0xFFFFE000  }
.LBB2_2:
0x28: {  	s25 =	sshll.u32 s23, $0x5  }
0x29: {  	v17 =	vld [tilespmem:s25+$0x0]  }
0x2a: {  	v18 =	vld [tilespmem:s25+$0x10]  }
0x2b: {  	v19 =	vld [tilespmem:s25+$0x280]  }
0x2c: {  	v20 =	vld [tilespmem:s25+$0x290]  }
0x2d: {  	v26 =	vimm.f32 $+Inf;
	s26 =	simm.s32 $0xF;
	s28 =	simm.s32 $0x780;
	v21 =	vld [tilespmem:s25+$0x500]  }
0x2e: {  	s29 =	simm.s32 $0x2780;
	s30 =	simm.s32 $0x4780;
	v27 =	vimm.f32 $0.0e+00;
	v28 =	vimm.f32 $0.0e+00;
	v29 =	vimm.f32 $+Inf;
	s24 =	sor.u32 $0x10, s25;
	v22 =	vld [tilespmem:s25+$0x510]  }
.LBB2_3:
0x2f: {  	v24 =	vld [tilespmem:s28+$0x0]  }
0x30: {  	v25 =	vld [tilespmem:s29+$0x0]  }
0x31: {  	v23 =	vld [tilespmem:s30+$0x0];
	_ =	sdelay $0x3  }
0x32: {  	v30 =	vperm.xlane v24, v0  }
0x33: {  	v31 =	vperm.xlane v25, v0;
	v32 =	vperm.xlane v23, v0  }
0x34: {  	v47 =	vperm.xlane v24, v1;
	v48 =	vperm.xlane v25, v1  }
0x35: {  	v51 =	vperm.xlane v24, v2;
	v52 =	vperm.xlane v25, v2  }
0x36: {  	v57 =	vperm.xlane v24, v3;
	v58 =	vperm.xlane v25, v3;
	v33 =	vsub.f32 v17, v30  }
0x37: {  	v59 =	vperm.xlane v23, v3;
	v34 =	vsub.f32 v19, v31;
	v35 =	vsub.f32 v21, v32  }
0x38: {  	v42 =	vperm.xlane v24, v4;
	v30 =	vsub.f32 v18, v30;
	v31 =	vsub.f32 v20, v31  }
0x39: {  	v43 =	vperm.xlane v25, v4;
	v32 =	vsub.f32 v22, v32;
	v36 =	vsub.f32 v17, v47  }
0x3a: {  	v44 =	vperm.xlane v23, v4;
	v37 =	vsub.f32 v19, v48;
	v53 =	vsub.f32 v17, v51  }
0x3b: {  	v54 =	vsub.f32 v19, v52;
	v55 =	vsub.f32 v20, v52;
	v52 =	vperm.xlane v24, v5  }
0x3c: {  	v60 =	vsub.f32 v17, v57;
	v33 =	vmul.f32 v33, v33;
	v34 =	vmul.f32 v34, v34  }
0x3d: {  	v61 =	vsub.f32 v19, v58;
	v46 =	vmul.f32 v35, v35;
	v30 =	vmul.f32 v30, v30  }
0x3e: {  	v41 =	vsub.f32 v20, v58;
	v31 =	vmul.f32 v31, v31;
	v32 =	vmul.f32 v32, v32  }
0x3f: {  	v45 =	vsub.f32 v17, v42;
	v36 =	vmul.f32 v36, v36;
	v37 =	vmul.f32 v37, v37  }
0x40: {  	v35 =	vsub.f32 v20, v48;
	v62 =	vmul.f32 v60, v60;
	v63 =	vmul.f32 v61, v61  }
0x41: {  	v33 =	vadd.f32 v34, v33;
	v30 =	vadd.f32 v31, v30;
	v31 =	vperm.xlane v23, v1  }
0x42: {  	v34 =	vsub.f32 v18, v47;
	v35 =	vmul.f32 v35, v35;
	v49 =	vadd.f32 v37, v36  }
0x43: {  	v40 =	vadd.f32 v63, v62;
	v47 =	vsub.f32 v21, v44;
	v37 =	vmul.f32 v45, v45  }
0x44: {  	v62 =	vperm.xlane v24, v6;
	v63 =	vperm.xlane v25, v6;
	v33 =	vadd.f32 v46, v33  }
0x45: {  	v38 =	vsub.f32 v21, v31;
	v31 =	vsub.f32 v22, v31;
	v34 =	vmul.f32 v34, v34  }
0x46: {  	v30 =	vadd.f32 v32, v30;
	v32 =	vmul.f32 v55, v55;
	v46 =	vsub.f32 v19, v43  }
0x47: {  	v48 =	vmul.f32 v47, v47;
	v55 =	vsub.f32 v17, v52;
	v36 =	vsub.f32 v20, v63  }
0x48: {  	v47 =	vperm.xlane v25, v7;
	vm0 =	vlt.f32 v33, v29;
	v50 =	vmul.f32 v38, v38  }
0x49: {  	s31 =	sadd.s32 $0xFFFFFFF1, s26;
	v34 =	vadd.f32 v35, v34;
	v31 =	vmul.f32 v31, v31;
	v29 =	vmin.f32 v29, v33  }
0x4a: {  	s31 =	scvt.s32.f32 s31;
	vm10 =	vlt.f32 v30, v26;
	v35 =	vmul.f32 v54, v54;
	v38 =	vmul.f32 v46, v46  }
0x4b: {  	v26 =	vmin.f32 v26, v30;
	v54 =	vperm.xlane v23, v5;
	v45 =	vmul.f32 v36, v36  }
0x4c: {  	v46 =	vperm.xlane v24, v7;
	v28 =	vsel vm0, s31, v28;
	v30 =	vadd.f32 v50, v49  }
0x4d: {  	v27 =	vsel vm10, s31, v27;
	v31 =	vadd.f32 v31, v34;
	v34 =	vmul.f32 v53, v53  }
0x4e: {  	v49 =	vsub.f32 v20, v43;
	v53 =	vperm.xlane v25, v5;
	vm11 =	vlt.f32 v30, v29  }
0x4f: {  	v29 =	vmin.f32 v29, v30;
	vm1 =	vlt.f32 v31, v26;
	v30 =	vperm.xlane v23, v2  }
0x50: {  	s0 =	sadd.s32 $0xFFFFFFF2, s26;
	v26 =	vmin.f32 v26, v31;
	v31 =	vsub.f32 v18, v51;
	v34 =	vadd.f32 v35, v34  }
0x51: {  	s31 =	scvt.s32.f32 s0;
	v51 =	vmul.f32 v49, v49;
	v35 =	vsub.f32 v20, v53;
	v49 =	vsub.f32 v17, v46  }
0x52: {  	v56 =	vsub.f32 v21, v30;
	v30 =	vsub.f32 v22, v30;
	v31 =	vmul.f32 v31, v31  }
0x53: {  	v28 =	vsel vm11, s31, v28;
	v61 =	vmul.f32 v35, v35;
	v35 =	vsub.f32 v18, v62  }
0x54: {  	v33 =	vmul.f32 v56, v56;
	v31 =	vadd.f32 v32, v31;
	v30 =	vmul.f32 v30, v30  }
0x55: {  	v27 =	vsel vm1, s31, v27;
	v32 =	vsub.f32 v22, v59;
	v56 =	vsub.f32 v19, v53  }
0x56: {  	v36 =	vmul.f32 v49, v49;
	v33 =	vadd.f32 v33, v34;
	v30 =	vadd.f32 v30, v31  }
0x57: {  	v31 =	vsub.f32 v21, v59;
	v34 =	vmul.f32 v41, v41;
	v32 =	vmul.f32 v32, v32  }
0x58: {  	v58 =	vmul.f32 v56, v56;
	v59 =	vsub.f32 v22, v54;
	v41 =	vsub.f32 v17, v62  }
0x59: {  	vm13 =	vlt.f32 v30, v26;
	v26 =	vmin.f32 v26, v30;
	v30 =	vsub.f32 v18, v57  }
0x5a: {  	v62 =	vperm.xlane v23, v9;
	vm12 =	vlt.f32 v33, v29;
	v29 =	vmin.f32 v29, v33  }
0x5b: {  	s0 =	sadd.s32 $0xFFFFFFF3, s26;
	v31 =	vmul.f32 v31, v31;
	v33 =	vsub.f32 v18, v42;
	v30 =	vmul.f32 v30, v30  }
0x5c: {  	s31 =	scvt.s32.f32 s0;
	v57 =	vmul.f32 v55, v55;
	v42 =	vsub.f32 v19, v63;
	v43 =	vmul.f32 v41, v41  }
0x5d: {  	v55 =	vperm.xlane v25, v8;
	v31 =	vadd.f32 v31, v40;
	v30 =	vadd.f32 v34, v30  }
0x5e: {  	v28 =	vsel vm12, s31, v28;
	v27 =	vsel vm13, s31, v27;
	v50 =	vmul.f32 v33, v33  }
0x5f: {  	v40 =	vperm.xlane v23, v6;
	vm14 =	vlt.f32 v31, v29;
	v30 =	vadd.f32 v32, v30  }
0x60: {  	v29 =	vmin.f32 v29, v31;
	v31 =	vadd.f32 v38, v37;
	v34 =	vsub.f32 v18, v52  }
0x61: {  	s0 =	sadd.s32 $0xFFFFFFF4, s26;
	v33 =	vsub.f32 v22, v40;
	v32 =	vadd.f32 v51, v50;
	vm15 =	vlt.f32 v30, v26  }
0x62: {  	s0 =	scvt.s32.f32 s0;
	v26 =	vmin.f32 v26, v30;
	v30 =	vadd.f32 v48, v31;
	v31 =	vsub.f32 v22, v44  }
0x63: {  	v60 =	vmul.f32 v34, v34;
	v50 =	vsub.f32 v19, v47;
	v33 =	vmul.f32 v33, v33  }
0x64: {  	v28 =	vsel vm14, s0, v28;
	v48 =	vperm.xlane v23, v7;
	v31 =	vmul.f32 v31, v31  }
0x65: {  	v44 =	vmul.f32 v42, v42;
	v37 =	vmul.f32 v50, v50;
	vm4 =	vlt.f32 v30, v29  }
0x66: {  	v29 =	vmin.f32 v29, v30;
	v51 =	vsub.f32 v21, v48;
	v30 =	vadd.f32 v31, v32  }
0x67: {  	s31 =	sadd.s32 $0xFFFFFFF5, s26;
	v27 =	vsel vm15, s0, v27;
	v34 =	vsub.f32 v22, v48;
	v31 =	vsub.f32 v21, v54  }
0x68: {  	s0 =	scvt.s32.f32 s31;
	v52 =	vadd.f32 v37, v36;
	v54 =	vperm.xlane v24, v8;
	vm5 =	vlt.f32 v30, v26  }
0x69: {  	v26 =	vmin.f32 v26, v30;
	v30 =	vadd.f32 v58, v57;
	v31 =	vmul.f32 v31, v31  }
0x6a: {  	v28 =	vsel vm4, s0, v28;
	v32 =	vmul.f32 v59, v59;
	v56 =	vsub.f32 v17, v54  }
0x6b: {  	v53 =	vmul.f32 v51, v51;
	v57 =	vsub.f32 v19, v55;
	v30 =	vadd.f32 v31, v30  }
0x6c: {  	v34 =	vmul.f32 v34, v34;
	v58 =	vsub.f32 v20, v55;
	v31 =	vadd.f32 v61, v60  }
0x6d: {  	v60 =	vperm.xlane v24, v9;
	v61 =	vperm.xlane v25, v9;
	vm6 =	vlt.f32 v30, v29  }
0x6e: {  	s31 =	sadd.s32 $0xFFFFFFF6, s26;
	v29 =	vmin.f32 v29, v30;
	v30 =	vadd.f32 v32, v31;
	v31 =	vsub.f32 v21, v40  }
0x6f: {  	v27 =	vsel vm5, s0, v27;
	s0 =	scvt.s32.f32 s31;
	v32 =	vadd.f32 v44, v43;
	v63 =	vsub.f32 v17, v60  }
0x70: {  	v55 =	vperm.xlane v24, v11;
	v40 =	vsub.f32 v19, v61;
	v44 =	vsub.f32 v20, v61  }
0x71: {  	v28 =	vsel vm6, s0, v28;
	vm7 =	vlt.f32 v30, v26;
	v31 =	vmul.f32 v31, v31  }
0x72: {  	v26 =	vmin.f32 v26, v30;
	v30 =	vmul.f32 v35, v35;
	v41 =	vmul.f32 v63, v63  }
0x73: {  	v35 =	vsub.f32 v20, v47;
	v42 =	vmul.f32 v40, v40;
	v47 =	vperm.xlane v23, v10  }
0x74: {  	v27 =	vsel vm7, s0, v27;
	v31 =	vadd.f32 v31, v32;
	v30 =	vadd.f32 v45, v30  }
0x75: {  	v32 =	vsub.f32 v18, v46;
	v35 =	vmul.f32 v35, v35;
	v45 =	vperm.xlane v24, v10  }
0x76: {  	v43 =	vadd.f32 v42, v41;
	v46 =	vperm.xlane v25, v10;
	v41 =	vperm.xlane v24, v12  }
0x77: {  	v50 =	vsub.f32 v21, v47;
	v42 =	vperm.xlane v25, v12;
	v32 =	vmul.f32 v32, v32  }
0x78: {  	vm8 =	vlt.f32 v31, v29;
	v30 =	vadd.f32 v33, v30;
	v29 =	vmin.f32 v29, v31  }
0x79: {  	v48 =	vsub.f32 v17, v45;
	v49 =	vsub.f32 v19, v46;
	v51 =	vmul.f32 v50, v50  }
0x7a: {  	s31 =	sadd.s32 $0xFFFFFFF7, s26;
	v36 =	vsub.f32 v20, v42;
	v50 =	vperm.xlane v25, v13;
	v32 =	vadd.f32 v35, v32  }
0x7b: {  	s0 =	scvt.s32.f32 s31;
	vm9 =	vlt.f32 v30, v26;
	v26 =	vmin.f32 v26, v30;
	v35 =	vmul.f32 v57, v57  }
0x7c: {  	v30 =	vadd.f32 v53, v52;
	v37 =	vmul.f32 v48, v48;
	v38 =	vmul.f32 v49, v49  }
0x7d: {  	v28 =	vsel vm8, s0, v28;
	v57 =	vperm.xlane v23, v11;
	v49 =	vmul.f32 v36, v36  }
0x7e: {  	s31 =	sadd.s32 $0xFFFFFFF8, s26;
	v27 =	vsel vm9, s0, v27;
	v31 =	vadd.f32 v34, v32;
	vm10 =	vlt.f32 v30, v29  }
0x7f: {  	s0 =	scvt.s32.f32 s31;
	v29 =	vmin.f32 v29, v30;
	v30 =	vperm.xlane v23, v8;
	v34 =	vmul.f32 v56, v56  }
0x80: {  	v52 =	vsub.f32 v20, v46;
	v32 =	vmul.f32 v58, v58;
	v56 =	vperm.xlane v25, v11  }
0x81: {  	v58 =	vsub.f32 v17, v55;
	v28 =	vsel vm10, s0, v28;
	vm11 =	vlt.f32 v31, v26  }
0x82: {  	v26 =	vmin.f32 v26, v31;
	v31 =	vsub.f32 v18, v54;
	v59 =	vsub.f32 v21, v30  }
0x83: {  	v30 =	vsub.f32 v22, v30;
	v34 =	vadd.f32 v35, v34;
	v54 =	vmul.f32 v52, v52  }
0x84: {  	v35 =	vsub.f32 v20, v56;
	v52 =	vperm.xlane v23, v13;
	v31 =	vmul.f32 v31, v31  }
0x85: {  	v27 =	vsel vm11, s0, v27;
	v33 =	vmul.f32 v59, v59;
	v30 =	vmul.f32 v30, v30  }
0x86: {  	v59 =	vsub.f32 v19, v56;
	v40 =	vmul.f32 v35, v35;
	v31 =	vadd.f32 v32, v31  }
0x87: {  	v35 =	vsub.f32 v18, v41;
	v56 =	vperm.xlane v24, v14;
	v33 =	vadd.f32 v33, v34  }
0x88: {  	v32 =	vsub.f32 v22, v62;
	v34 =	vmul.f32 v44, v44;
	v30 =	vadd.f32 v30, v31  }
0x89: {  	v61 =	vmul.f32 v59, v59;
	v44 =	vsub.f32 v17, v41;
	v48 =	vmul.f32 v35, v35  }
0x8a: {  	vm13 =	vlt.f32 v30, v26;
	v26 =	vmin.f32 v26, v30;
	v30 =	vsub.f32 v18, v60  }
0x8b: {  	v59 =	vsub.f32 v17, v56;
	v31 =	vsub.f32 v21, v62;
	vm12 =	vlt.f32 v33, v29  }
0x8c: {  	s31 =	sadd.s32 $0xFFFFFFF9, s26;
	v29 =	vmin.f32 v29, v33;
	v32 =	vmul.f32 v32, v32;
	v30 =	vmul.f32 v30, v30  }
0x8d: {  	s0 =	scvt.s32.f32 s31;
	v33 =	vsub.f32 v18, v45;
	v62 =	vsub.f32 v22, v57;
	v31 =	vmul.f32 v31, v31  }
0x8e: {  	v45 =	vsub.f32 v19, v42;
	v46 =	vmul.f32 v44, v44;
	v30 =	vadd.f32 v34, v30  }
0x8f: {  	v28 =	vsel vm12, s0, v28;
	v53 =	vmul.f32 v33, v33;
	v31 =	vadd.f32 v31, v43  }
0x90: {  	v60 =	vmul.f32 v58, v58;
	v58 =	vperm.xlane v23, v14;
	v30 =	vadd.f32 v32, v30  }
0x91: {  	vm14 =	vlt.f32 v31, v29;
	v29 =	vmin.f32 v29, v31;
	v31 =	vadd.f32 v38, v37  }
0x92: {  	v27 =	vsel vm13, s0, v27;
	v43 =	vperm.xlane v23, v12;
	vm15 =	vlt.f32 v30, v26  }
0x93: {  	s31 =	sadd.s32 $0xFFFFFFFA, s26;
	v26 =	vmin.f32 v26, v30;
	v30 =	vadd.f32 v51, v31;
	v31 =	vsub.f32 v22, v47  }
0x94: {  	s31 =	scvt.s32.f32 s31;
	v23 =	vperm.xlane v23, v15;
	v34 =	vsub.f32 v18, v55;
	v33 =	vsub.f32 v22, v43  }
0x95: {  	v55 =	vsub.f32 v21, v52;
	v32 =	vadd.f32 v54, v53;
	v31 =	vmul.f32 v31, v31  }
0x96: {  	v28 =	vsel vm14, s31, v28;
	v63 =	vmul.f32 v34, v34;
	v54 =	vsub.f32 v19, v50  }
0x97: {  	vm4 =	vlt.f32 v30, v29;
	v29 =	vmin.f32 v29, v30;
	v30 =	vadd.f32 v31, v32  }
0x98: {  	v33 =	vmul.f32 v33, v33;
	v34 =	vsub.f32 v22, v52;
	v31 =	vsub.f32 v21, v57  }
0x99: {  	v47 =	vmul.f32 v45, v45;
	v27 =	vsel vm15, s31, v27;
	vm5 =	vlt.f32 v30, v26  }
0x9a: {  	s31 =	sadd.s32 $0xFFFFFFFB, s26;
	v26 =	vmin.f32 v26, v30;
	v30 =	vadd.f32 v61, v60;
	v31 =	vmul.f32 v31, v31  }
0x9b: {  	v51 =	vadd.f32 v49, v48;
	v37 =	vmul.f32 v54, v54;
	s0 =	scvt.s32.f32 s31;
	v57 =	vperm.xlane v25, v14  }
0x9c: {  	v32 =	vmul.f32 v62, v62;
	v30 =	vadd.f32 v31, v30;
	v31 =	vadd.f32 v40, v63  }
0x9d: {  	v28 =	vsel vm4, s0, v28;
	v25 =	vperm.xlane v25, v15;
	v60 =	vsub.f32 v19, v57  }
0x9e: {  	vm6 =	vlt.f32 v30, v29;
	v29 =	vmin.f32 v29, v30;
	v30 =	vadd.f32 v32, v31  }
0x9f: {  	s31 =	sadd.s32 $0xFFFFFFFC, s26;
	v27 =	vsel vm5, s0, v27;
	v63 =	vsub.f32 v19, v25;
	v31 =	vsub.f32 v21, v43  }
0xa0: {  	s0 =	scvt.s32.f32 s31;
	v25 =	vsub.f32 v20, v25;
	v32 =	vadd.f32 v47, v46;
	vm7 =	vlt.f32 v30, v26  }
0xa1: {  	v31 =	vmul.f32 v31, v31;
	v26 =	vmin.f32 v26, v30;
	v30 =	vperm.xlane v24, v13  }
0xa2: {  	v61 =	vsub.f32 v20, v57;
	v25 =	vmul.f32 v25, v25;
	v28 =	vsel vm6, s0, v28  }
0xa3: {  	v24 =	vperm.xlane v24, v15;
	v31 =	vadd.f32 v31, v32;
	v53 =	vsub.f32 v17, v30  }
0xa4: {  	v27 =	vsel vm7, s0, v27;
	v32 =	vadd.f32 v33, v51;
	v30 =	vsub.f32 v18, v30  }
0xa5: {  	v33 =	vmul.f32 v55, v55;
	v62 =	vsub.f32 v17, v24;
	vm8 =	vlt.f32 v31, v29  }
0xa6: {  	v35 =	vmul.f32 v53, v53;
	v29 =	vmin.f32 v29, v31;
	v31 =	vsub.f32 v20, v50  }
0xa7: {  	v24 =	vsub.f32 v18, v24;
	vm9 =	vlt.f32 v32, v26;
	v30 =	vmul.f32 v30, v30  }
0xa8: {  	s31 =	sadd.s32 $0xFFFFFFFD, s26;
	v26 =	vmin.f32 v26, v32;
	v35 =	vadd.f32 v37, v35;
	v31 =	vmul.f32 v31, v31  }
0xa9: {  	s0 =	scvt.s32.f32 s31;
	v32 =	vsub.f32 v18, v56;
	v24 =	vmul.f32 v24, v24;
	v37 =	vmul.f32 v60, v60  }
0xaa: {  	v33 =	vadd.f32 v33, v35;
	v30 =	vadd.f32 v31, v30;
	v31 =	vmul.f32 v34, v34  }
0xab: {  	v28 =	vsel vm8, s0, v28;
	v32 =	vmul.f32 v32, v32;
	v35 =	vmul.f32 v59, v59  }
0xac: {  	v34 =	vsub.f32 v22, v58;
	vm10 =	vlt.f32 v33, v29;
	v30 =	vadd.f32 v31, v30  }
0xad: {  	v31 =	vsub.f32 v21, v58;
	v29 =	vmin.f32 v29, v33;
	v33 =	vmul.f32 v61, v61  }
0xae: {  	v27 =	vsel vm9, s0, v27;
	v35 =	vadd.f32 v37, v35;
	v34 =	vmul.f32 v34, v34  }
0xaf: {  	s31 =	sadd.s32 $0xFFFFFFFE, s26;
	v31 =	vmul.f32 v31, v31;
	vm11 =	vlt.f32 v30, v26;
	v32 =	vadd.f32 v33, v32  }
0xb0: {  	s31 =	scvt.s32.f32 s31;
	v26 =	vmin.f32 v26, v30;
	v30 =	vsub.f32 v21, v23;
	v33 =	vmul.f32 v62, v62  }
0xb1: {  	v23 =	vsub.f32 v22, v23;
	v31 =	vadd.f32 v31, v35;
	v35 =	vmul.f32 v63, v63  }
0xb2: {  	v24 =	vadd.f32 v25, v24;
	v28 =	vsel vm10, s31, v28;
	v30 =	vmul.f32 v30, v30  }
0xb3: {  	p0 =	sne.s32 s26, $0x1FFF;
	s0 =	sadd.s32 $0xFFFFFFFF, s26;
	v23 =	vmul.f32 v23, v23;
	v25 =	vadd.f32 v34, v32;
	v33 =	vadd.f32 v35, v33  }
.Ltmp0:
0xb4: {  	s0 =	scvt.s32.f32 s0;
	v27 =	vsel vm11, s31, v27;
	vm12 =	vlt.f32 v31, v29;
	v29 =	vmin.f32 v29, v31;
	(pc) =	sbr.rel @p0 .LBB2_3-.Ltmp0, $4  }
0xb5: {  	v23 =	vadd.f32 v23, v24;
	vm13 =	vlt.f32 v25, v26;
	v30 =	vadd.f32 v30, v33  }
0xb6: {  	s31 =	scvt.s32.f32 s26;
	v24 =	vmin.f32 v26, v25;
	v28 =	vsel vm12, s0, v28;
	v25 =	vsel vm13, s0, v27  }
0xb7: {  	s28 =	sadd.s32 $0x10, s28;
	vm15 =	vlt.f32 v23, v24;
	v26 =	vmin.f32 v24, v23;
	vm14 =	vlt.f32 v30, v29  }
0xb8: {  	s29 =	sadd.s32 $0x10, s29;
	s30 =	sadd.s32 $0x10, s30;
	s26 =	sadd.s32 $0x10, s26;
	v27 =	vsel vm15, s31, v25;
	v29 =	vmin.f32 v29, v30;
	v28 =	vsel vm14, s31, v28  }
0xb9: {  	s23 =	sadd.s32 $0x1, s23  }
0xba: {  	v17 =	vtrunc.f32 v28;
	p0 =	sne.s32 s23, $0x12  }
.Ltmp1:
0xbb: {  	v17 =	vcvt.f32.s32 v17;
	(pc) =	sbr.rel @p0 .LBB2_2-.Ltmp1, $4  }
0xbc: {  	[tilespmem:s25+$0x6780] =	vst v29;
	v18 =	vtrunc.f32 v27  }
0xbd: {  	v16 =	vadd.f32 v29, v16;
	[tilespmem:s25+$0x6A00] =	vst v17;
	v17 =	vcvt.f32.s32 v18  }
0xbe: {  	[tilespmem:s24+$0x6780] =	vst v26  }
0xbf: {  	v16 =	vadd.f32 v26, v16;
	[tilespmem:s24+$0x6A00] =	vst v17  }
0xc0: {  	_ = 	snop  }
0xc1: {  	[tilespmem:$0x6C80] =	vst v16  }
0xc2: {  	[hbm4b:s9+s2] =	stream.linear.scatter [tilespmem:s19], [sflag:$0x1], $0x240, $0x38;
	[tilespmem:$0x6D00] =	vst v63  }
0xc3: {  	_ =	swait.ge [sflag:s13], $0x240  }
0xc4: {  	[sflag:s13] =	ssyncset.done $0x0  }
0xc5: {  	[sflag:s13] =	ssyncadd.s32 $0xFFFFFDC0  }
0xc6: {  	[hbm4b:s10+s2] =	stream.linear.scatter [tilespmem:s20], [sflag:$0x1], $0x240, $0x38;
	[tilespmem:$0x6D00] =	vst v63  }
0xc7: {  	s22 =	sadd.s32 $0x1, s22;
	_ =	swait.ge [sflag:s13], $0x240  }
0xc8: {  	p0 =	sne.s32 s22, s12;
	[sflag:s13] =	ssyncset.done $0x0  }
.Ltmp2:
0xc9: {  	[sflag:s13] =	ssyncadd.s32 $0xFFFFFDC0;
	(pc) =	sbr.rel @p0 .LBB2_1-.Ltmp2, $4  }
0xca: {  	[hbm4b:s11+s2] =	stream.linear.scatter [tilespmem:s21], [sflag:$0x1], $0x10, $0x38;
	[tilespmem:$0x6D00] =	vst v63  }
0xcb: {  	_ =	swait.ge [sflag:s13], $0x10  }
0xcc: {  	[sflag:s13] =	ssyncset.done $0x0  }
0xcd: {  	[sflag:s13] =	ssyncadd.s32 $0xFFFFFFF0  }
0xce: {  	_ =	sfence.sel $0x180000  }
0xcf: {  	[bflag:$0x0] =	sbarrier.arrive $0xFFFF  }
0xd0: {  	_ =	strace $0x90000047  }
0xd1: {  	[bflag:$0x2] =	sbarrier.arrive $0xFFFF  }
0xd2: {  	p0 =	sne.s32 s1, $0x0;
	s0 =	rddreg [dreg:$0x3]  }
0xd3: {  	s0 =	sadd.s32 @!p0 $0x100000, s0  }
0xd4: {  	[sflag:s0] =	ssyncadd.tile.s32 @!p0 $0x1;
	_ =	shalt  }
.Lfunc_end2:
_tile_overlayer_lowered:
.L_overlay_start_2:
0xd5: {  	(tag) =	ssettag $0x2  }
0xd6: {  	s0 =	rddreg [dreg:$0x0];
	s2 =	stileid.u32  }
0xd7: {  	s1 =	rddreg [dreg:$0x1];
	p0 =	sne.s32 s2, $0x0  }
0xd8: {  	s3 =	rddreg [dreg:$0x2];
	[bflag:$0x3] =	sbarrier.arrive $0xFFFF;
	s2 =	simm.s32 @!p0 $0x1C01  }
0xd9: {  	[timem:s3], [sflag:s2] =	dma.local @!p0 [hbm:s0], s1  }
0xda: {  	s0 =	simm.s32 @!p0 $0x1  }
0xdb: {  	_ =	swait.ge @!p0 [sflag:s0], s1  }
0xdc: {  	s1 =	ssub.s32 @!p0 $0x0, s1;
	[sflag:s0] =	ssyncset.done @!p0 $0x0  }
0xdd: {  	[sflag:s0] =	ssyncadd.s32 @!p0 s1  }
0xde: {  	[bflag:$0x3] =	sbarrier.arrive $0xFFFF  }
0xdf: {  	_ =	shalt  }

</sc_bundles>
